<compile_context>
chip_gen: v7x
topology: tpu7x:2x2x1
jax: 0.10.2.dev20260603
libtpu: 0.0.44.dev20260713+nightly
codegen_flags: <defaults>
</compile_context>

<pallas_src>
import functools

import jax
import jax.numpy as jnp
from jax import lax
from jax.experimental import pallas as pl
from jax.experimental.pallas import tpu as pltpu
from jax.experimental.pallas import tpu_sc as plsc

EMBED = 512
KREP = 16
NC, NS = 2, 16
NW = NC * NS
CB = 64


def _body(hist, bpw, table_hbm, idx_hbm, out_hbm, idx_v, rows_v,
          gsem0, gsem1, ssem0, ssem1):
    wid = lax.axis_index("s") * NC + lax.axis_index("c")
    b0 = wid * bpw
    pltpu.sync_copy(idx_hbm.at[pl.ds(wid * hist * bpw, hist * bpw)], idx_v)

    gsems = (gsem0, gsem1)
    ssems = (ssem0, ssem1)

    def gstart(h, half, b):
        pltpu.async_copy(
            table_hbm.at[idx_v.at[pl.ds(h * bpw + half * CB, CB)]],
            rows_v.at[b], gsems[b])

    def gwait(h, half, b):
        pltpu.make_async_copy(
            table_hbm.at[idx_v.at[pl.ds(h * bpw + half * CB, CB)]],
            rows_v.at[b], gsems[b]).wait()

    def sstart(h, half, b):
        pltpu.async_copy(
            rows_v.at[b], out_hbm.at[h].at[pl.ds(b0 + half * CB, CB)],
            ssems[b])

    def swait(h, half, b):
        pltpu.make_async_copy(
            rows_v.at[b], out_hbm.at[h].at[pl.ds(b0 + half * CB, CB)],
            ssems[b]).wait()

    nhalf = bpw // CB

    gstart(0, 0, 0)
    gstart(0, 1, 1)
    gwait(0, 0, 0)
    sstart(0, 0, 0)

    @pl.loop(1, hist)
    def _(h):
        for half in range(nhalf):
            b = half
            swait(h - 1, half, b)
            gstart(h, half, b)
            ph, phalf = (h, 0) if half == 1 else (h - 1, 1)
            gwait(ph, phalf, 1 - b)
            sstart(ph, phalf, 1 - b)

    gwait(hist - 1, 1, 1)
    sstart(hist - 1, 1, 1)
    swait(hist - 1, 0, 0)
    swait(hist - 1, 1, 1)


def kernel(x, embedding, feedforward_0, feedforward_1, feedforward_2,
           feedforward_3):
    batch, hist = x.shape
    bpw = batch // NW
    xw = jnp.swapaxes(x.astype(jnp.int32), 0, 1)
    xw = xw.reshape(hist, NW, bpw).transpose(1, 0, 2)
    vocab = embedding.shape[0]
    w = jnp.arange(NW)[:, None, None]
    h = jnp.arange(hist)[None, :, None]
    b = jnp.arange(bpw)[None, None, :]
    chunk = h * (bpw // CB) + b // CB
    xw = (xw + ((w + chunk) % KREP) * vocab).reshape(-1)
    table_rep = jnp.tile(embedding, (KREP, 1))

    mesh = plsc.VectorSubcoreMesh(
        core_axis_name="c", subcore_axis_name="s",
        num_cores=NC, num_subcores=NS)
    gather = pl.kernel(
        functools.partial(_body, hist, bpw),
        out_type=jax.ShapeDtypeStruct((hist, batch, EMBED), jnp.float32),
        mesh=mesh,
        scratch_types=[
            pltpu.VMEM((hist * bpw,), jnp.int32),
            pltpu.VMEM((2, CB, EMBED), jnp.float32),
            pltpu.SemaphoreType.DMA,
            pltpu.SemaphoreType.DMA,
            pltpu.SemaphoreType.DMA,
            pltpu.SemaphoreType.DMA,
        ],
    )
    out = gather(table_rep, xw)
    return jnp.transpose(out, (1, 0, 2))

# --- scband reference (transcript-rebuilt; emitter-appended) ---
"""Pipeline reference for scband-nnmodel-81965155877613 (READ-ONLY COPY).

The authoritative reference and input builder live on the scoring server;
editing this copy changes nothing except your own understanding.
"""

import jax, jax.numpy as jnp
import numpy as np

VOCAB_DIM = 256
EMBED_DIM = 512
FF_DIM = 2048
LAYERS = 4
BATCH = 4096
HIST = 50


def setup_inputs(seed: int = 0) -> dict:
    key = jax.random.key(seed)
    k_x, k_emb, k_ff = jax.random.split(key, 3)
    x = jax.random.randint(k_x, (BATCH, HIST), 0, VOCAB_DIM, dtype=jnp.int64 if jax.config.jax_enable_x64 else jnp.int32)
    # param 'embedded': nn.initializers.normal(1) -> stddev 1 normal
    embedding = jax.random.normal(k_emb, (VOCAB_DIM, EMBED_DIM), dtype=jnp.float32)
    # feedforward_i params are created by the original module but never used
    # in any valid computation (lecun_normal init).
    ff_keys = jax.random.split(k_ff, LAYERS)
    ffs = {}
    for i in range(LAYERS):
        fan_in = EMBED_DIM
        std = 1.0 / np.sqrt(fan_in)
        ffs['feedforward_' + str(i)] = std * jax.random.truncated_normal(ff_keys[i], -2.0, 2.0, (EMBED_DIM, FF_DIM), dtype=jnp.float32)
    out = {'x': x, 'embedding': embedding}
    out.update(ffs)
    return out


def reference(x, embedding, feedforward_0, feedforward_1, feedforward_2, feedforward_3):
    # Original forward:
    #   x = embedding[x]                # valid integer gather
    #   for i in range(LAYERS):
    #       feedforward = ...           # param created, never applied
    #       x = embedding[x]            # INVALID: x is float32 here; jax raises
    # The only well-defined computation is the initial embedding lookup, so the
    # faithful (runnable) output is the first gather. The feedforward params do
    # not participate in the output.
    out = jnp.take(embedding, x, axis=0)
    return out

if __name__ == "__main__":
    import jax
    _d = setup_inputs()
    print(jax.jit(kernel)(*tuple(_d.values())))

</pallas_src>

<mosaic_0001>
#map = affine_map<(d0, d1) -> (0, 0)>
#map1 = affine_map<(d0, d1) -> (0)>
#map2 = affine_map<(d0, d1) -> (0, 0, 0)>
module attributes {stable_mosaic.version = 14 : i64} {
  func.func @_body(%arg0: i32, %arg1: i32, %arg2: memref<4096x512xf32, #tpu.memory_space<hbm>>, %arg3: memref<204800xi32, #tpu.memory_space<hbm>>, %arg4: memref<50x4096x512xf32, #tpu.memory_space<hbm>>, %arg5: memref<6400xi32, #tpu.memory_space<vmem>>, %arg6: memref<2x64x512xf32, #tpu.memory_space<vmem>>, %arg7: memref<!tpu.dma_semaphore, #tpu.memory_space<semaphore_mem>>, %arg8: memref<!tpu.dma_semaphore, #tpu.memory_space<semaphore_mem>>, %arg9: memref<!tpu.dma_semaphore, #tpu.memory_space<semaphore_mem>>, %arg10: memref<!tpu.dma_semaphore, #tpu.memory_space<semaphore_mem>>) attributes {dimension_semantics = [#tpu.dimension_semantics<core_parallel>, #tpu.dimension_semantics<subcore_parallel>], iteration_bounds = array<i64: 2, 16>, scalar_prefetch = 0 : i64, scratch_operands = 6 : i64, tpu.core_type = #tpu.core_type<sc_vector_subcore>, window_params = [{transform_indices = #map}, {transform_indices = #map1}, {transform_indices = #map2}]} {
    %mul3A = arith.constant 2 : i32
    %mul3A_0 = arith.muli %arg1, %mul3A : i32
    %add3A = arith.addi %mul3A_0, %arg0 : i32
    %mul3A_1 = arith.constant 128 : i32
    %mul3A_2 = arith.muli %add3A, %mul3A_1 : i32
    %mul3A_3 = arith.constant 50 : i32
    %mul3A_4 = arith.muli %add3A, %mul3A_3 : i32
    %mul3A_5 = arith.constant 128 : i32
    %mul3A_6 = arith.muli %mul3A_4, %mul3A_5 : i32
    "tpu.region"() ({
      %run_scoped3A = tpu.sem_alloc : memref<!tpu.dma_semaphore, #tpu.memory_space<semaphore_mem>>
      %dma_start3A_145 = tpu.memref_slice %arg3[%mul3A_6] : memref<204800xi32, #tpu.memory_space<hbm>> -> memref<6400xi32, #tpu.memory_space<hbm>>
      %dma_start3A_146 = tpu.memref_slice %arg3[%mul3A_6] : memref<204800xi32, #tpu.memory_space<hbm>> -> memref<6400xi32, #tpu.memory_space<hbm>>
      tpu.enqueue_dma source(%dma_start3A_146 : memref<6400xi32, #tpu.memory_space<hbm>>) target(%arg5 : memref<6400xi32, #tpu.memory_space<vmem>>) target_semaphore(%run_scoped3A : memref<!tpu.dma_semaphore, #tpu.memory_space<semaphore_mem>>)
      %dma_wait3A_147 = tpu.memref_slice %arg3[%mul3A_6] : memref<204800xi32, #tpu.memory_space<hbm>> -> memref<6400xi32, #tpu.memory_space<hbm>>
      %dma_wait3A_148 = tpu.memref_slice %arg3[%mul3A_6] : memref<204800xi32, #tpu.memory_space<hbm>> -> memref<6400xi32, #tpu.memory_space<hbm>>
      tpu.wait_dma2 semaphore(%run_scoped3A : memref<!tpu.dma_semaphore, #tpu.memory_space<semaphore_mem>>) src(%dma_wait3A_148 : memref<6400xi32, #tpu.memory_space<hbm>>) dst(%arg5 : memref<6400xi32, #tpu.memory_space<vmem>>)
      tpu.yield
    }) : () -> ()
    %dma_start3A = arith.constant 0 : i32
    %dma_start3A_7 = arith.constant 0 : i32
    %dma_start3A_8 = arith.constant 0 : i32
    %dma_start3A_9 = tpu.memref_slice %arg6[%dma_start3A, %dma_start3A_7, %dma_start3A_8] : memref<2x64x512xf32, #tpu.memory_space<vmem>> -> memref<1x64x512xf32, #tpu.memory_space<vmem>>
    %dma_start3A_10 = tpu.memref_squeeze %dma_start3A_9 : memref<1x64x512xf32, #tpu.memory_space<vmem>> -> memref<64x512xf32, #tpu.memory_space<vmem>>
    %dma_start3A_11 = arith.constant 0 : i32
    %dma_start3A_12 = tpu.memref_slice %arg5[%dma_start3A_11] : memref<6400xi32, #tpu.memory_space<vmem>> -> memref<64xi32, #tpu.memory_space<vmem>>
    %dma_start3A_13 = arith.constant 0 : i32
    %dma_start3A_14 = arith.constant 0 : i32
    %dma_start3A_15 = tpu.memref_slice %arg2[%dma_start3A_13, %dma_start3A_14] : memref<4096x512xf32, #tpu.memory_space<hbm>> -> memref<4096x512xf32, #tpu.memory_space<hbm>>
    tpu.enqueue_indirect_dma source(%dma_start3A_15 : memref<4096x512xf32, #tpu.memory_space<hbm>>) target(%dma_start3A_10 : memref<64x512xf32, #tpu.memory_space<vmem>>) offsets(%dma_start3A_12 : memref<64xi32, #tpu.memory_space<vmem>>) semaphore(%arg7 : memref<!tpu.dma_semaphore, #tpu.memory_space<semaphore_mem>>)
    %dma_start3A_16 = arith.constant 1 : i32
    %dma_start3A_17 = arith.constant 0 : i32
    %dma_start3A_18 = arith.constant 0 : i32
    %dma_start3A_19 = tpu.memref_slice %arg6[%dma_start3A_16, %dma_start3A_17, %dma_start3A_18] : memref<2x64x512xf32, #tpu.memory_space<vmem>> -> memref<1x64x512xf32, #tpu.memory_space<vmem>>
    %dma_start3A_20 = tpu.memref_squeeze %dma_start3A_19 : memref<1x64x512xf32, #tpu.memory_space<vmem>> -> memref<64x512xf32, #tpu.memory_space<vmem>>
    %dma_start3A_21 = arith.constant 64 : i32
    %dma_start3A_22 = tpu.memref_slice %arg5[%dma_start3A_21] : memref<6400xi32, #tpu.memory_space<vmem>> -> memref<64xi32, #tpu.memory_space<vmem>>
    %dma_start3A_23 = arith.constant 0 : i32
    %dma_start3A_24 = arith.constant 0 : i32
    %dma_start3A_25 = tpu.memref_slice %arg2[%dma_start3A_23, %dma_start3A_24] : memref<4096x512xf32, #tpu.memory_space<hbm>> -> memref<4096x512xf32, #tpu.memory_space<hbm>>
    tpu.enqueue_indirect_dma source(%dma_start3A_25 : memref<4096x512xf32, #tpu.memory_space<hbm>>) target(%dma_start3A_20 : memref<64x512xf32, #tpu.memory_space<vmem>>) offsets(%dma_start3A_22 : memref<64xi32, #tpu.memory_space<vmem>>) semaphore(%arg8 : memref<!tpu.dma_semaphore, #tpu.memory_space<semaphore_mem>>)
    %dma_wait3A = arith.constant 0 : i32
    %dma_wait3A_26 = arith.constant 0 : i32
    %dma_wait3A_27 = arith.constant 0 : i32
    %dma_wait3A_28 = tpu.memref_slice %arg6[%dma_wait3A, %dma_wait3A_26, %dma_wait3A_27] : memref<2x64x512xf32, #tpu.memory_space<vmem>> -> memref<1x64x512xf32, #tpu.memory_space<vmem>>
    %dma_wait3A_29 = tpu.memref_squeeze %dma_wait3A_28 : memref<1x64x512xf32, #tpu.memory_space<vmem>> -> memref<64x512xf32, #tpu.memory_space<vmem>>
    %dma_wait3A_30 = arith.constant 0 : i32
    %dma_wait3A_31 = tpu.memref_slice %arg5[%dma_wait3A_30] : memref<6400xi32, #tpu.memory_space<vmem>> -> memref<64xi32, #tpu.memory_space<vmem>>
    %dma_wait3A_32 = arith.constant 0 : i32
    %dma_wait3A_33 = arith.constant 0 : i32
    %dma_wait3A_34 = tpu.memref_slice %arg2[%dma_wait3A_32, %dma_wait3A_33] : memref<4096x512xf32, #tpu.memory_space<hbm>> -> memref<4096x512xf32, #tpu.memory_space<hbm>>
    tpu.wait_indirect_dma semaphore(%arg7 : memref<!tpu.dma_semaphore, #tpu.memory_space<semaphore_mem>>) src(%dma_wait3A_34 : memref<4096x512xf32, #tpu.memory_space<hbm>>) dst(%dma_wait3A_29 : memref<64x512xf32, #tpu.memory_space<vmem>>)
    %add3A_35 = arith.constant 0 : i32
    %add3A_36 = arith.addi %mul3A_2, %add3A_35 : i32
    %dma_start3A_37 = arith.constant 0 : i32
    %dma_start3A_38 = arith.constant 0 : i32
    %dma_start3A_39 = arith.constant 0 : i32
    %dma_start3A_40 = arith.constant 0 : i32
    %dma_start3A_41 = tpu.memref_slice %arg6[%dma_start3A_37, %dma_start3A_39, %dma_start3A_40] : memref<2x64x512xf32, #tpu.memory_space<vmem>> -> memref<1x64x512xf32, #tpu.memory_space<vmem>>
    %dma_start3A_42 = tpu.memref_squeeze %dma_start3A_41 : memref<1x64x512xf32, #tpu.memory_space<vmem>> -> memref<64x512xf32, #tpu.memory_space<vmem>>
    %dma_start3A_43 = arith.constant 0 : i32
    %dma_start3A_44 = arith.constant 0 : i32
    %dma_start3A_45 = tpu.memref_slice %arg4[%dma_start3A_38, %dma_start3A_43, %dma_start3A_44] : memref<50x4096x512xf32, #tpu.memory_space<hbm>> -> memref<1x4096x512xf32, #tpu.memory_space<hbm>>
    %dma_start3A_46 = tpu.memref_squeeze %dma_start3A_45 : memref<1x4096x512xf32, #tpu.memory_space<hbm>> -> memref<4096x512xf32, #tpu.memory_space<hbm>>
    %dma_start3A_47 = arith.constant 0 : i32
    %dma_start3A_48 = tpu.memref_slice %dma_start3A_46[%add3A_36, %dma_start3A_47] : memref<4096x512xf32, #tpu.memory_space<hbm>> -> memref<64x512xf32, #tpu.memory_space<hbm>>
    %dma_start3A_49 = arith.constant 0 : i32
    %dma_start3A_50 = arith.constant 0 : i32
    %dma_start3A_51 = tpu.memref_slice %arg4[%dma_start3A_38, %dma_start3A_49, %dma_start3A_50] : memref<50x4096x512xf32, #tpu.memory_space<hbm>> -> memref<1x4096x512xf32, #tpu.memory_space<hbm>>
    %dma_start3A_52 = tpu.memref_squeeze %dma_start3A_51 : memref<1x4096x512xf32, #tpu.memory_space<hbm>> -> memref<4096x512xf32, #tpu.memory_space<hbm>>
    %dma_start3A_53 = arith.constant 0 : i32
    %dma_start3A_54 = tpu.memref_slice %dma_start3A_52[%add3A_36, %dma_start3A_53] : memref<4096x512xf32, #tpu.memory_space<hbm>> -> memref<64x512xf32, #tpu.memory_space<hbm>>
    %dma_start3A_55 = arith.constant 0 : i32
    %dma_start3A_56 = arith.constant 0 : i32
    %dma_start3A_57 = tpu.memref_slice %arg6[%dma_start3A_37, %dma_start3A_55, %dma_start3A_56] : memref<2x64x512xf32, #tpu.memory_space<vmem>> -> memref<1x64x512xf32, #tpu.memory_space<vmem>>
    %dma_start3A_58 = tpu.memref_squeeze %dma_start3A_57 : memref<1x64x512xf32, #tpu.memory_space<vmem>> -> memref<64x512xf32, #tpu.memory_space<vmem>>
    tpu.enqueue_dma source(%dma_start3A_58 : memref<64x512xf32, #tpu.memory_space<vmem>>) target(%dma_start3A_54 : memref<64x512xf32, #tpu.memory_space<hbm>>) target_semaphore(%arg9 : memref<!tpu.dma_semaphore, #tpu.memory_space<semaphore_mem>>)
    %scan3A = arith.constant 0 : i32
    %scan3A_59 = arith.constant 49 : i32
    %scan3A_60 = arith.addi %scan3A, %scan3A_59 : i32
    %scan3A_61 = arith.constant 1 : i32
    scf.for %scan3A_145 = %scan3A to %scan3A_60 step %scan3A_61  : i32 {
      %mul3A_146 = arith.constant 1 : i32
      %mul3A_147 = arith.muli %scan3A_145, %mul3A_146 : i32
      %add3A_148 = arith.constant 1 : i32
      %add3A_149 = arith.addi %add3A_148, %mul3A_147 : i32
      %sub3A = arith.constant 1 : i32
      %sub3A_150 = arith.subi %add3A_149, %sub3A : i32
      %add3A_151 = arith.constant 0 : i32
      %add3A_152 = arith.addi %mul3A_2, %add3A_151 : i32
      %dma_wait3A_153 = arith.constant 0 : i32
      %dma_wait3A_154 = arith.constant 0 : i32
      %dma_wait3A_155 = arith.constant 0 : i32
      %dma_wait3A_156 = tpu.memref_slice %arg6[%dma_wait3A_153, %dma_wait3A_154, %dma_wait3A_155] : memref<2x64x512xf32, #tpu.memory_space<vmem>> -> memref<1x64x512xf32, #tpu.memory_space<vmem>>
      %dma_wait3A_157 = tpu.memref_squeeze %dma_wait3A_156 : memref<1x64x512xf32, #tpu.memory_space<vmem>> -> memref<64x512xf32, #tpu.memory_space<vmem>>
      %dma_wait3A_158 = arith.constant 0 : i32
      %dma_wait3A_159 = arith.constant 0 : i32
      %dma_wait3A_160 = tpu.memref_slice %arg4[%sub3A_150, %dma_wait3A_158, %dma_wait3A_159] : memref<50x4096x512xf32, #tpu.memory_space<hbm>> -> memref<1x4096x512xf32, #tpu.memory_space<hbm>>
      %dma_wait3A_161 = tpu.memref_squeeze %dma_wait3A_160 : memref<1x4096x512xf32, #tpu.memory_space<hbm>> -> memref<4096x512xf32, #tpu.memory_space<hbm>>
      %dma_wait3A_162 = arith.constant 0 : i32
      %dma_wait3A_163 = tpu.memref_slice %dma_wait3A_161[%add3A_152, %dma_wait3A_162] : memref<4096x512xf32, #tpu.memory_space<hbm>> -> memref<64x512xf32, #tpu.memory_space<hbm>>
      %dma_wait3A_164 = arith.constant 0 : i32
      %dma_wait3A_165 = arith.constant 0 : i32
      %dma_wait3A_166 = tpu.memref_slice %arg4[%sub3A_150, %dma_wait3A_164, %dma_wait3A_165] : memref<50x4096x512xf32, #tpu.memory_space<hbm>> -> memref<1x4096x512xf32, #tpu.memory_space<hbm>>
      %dma_wait3A_167 = tpu.memref_squeeze %dma_wait3A_166 : memref<1x4096x512xf32, #tpu.memory_space<hbm>> -> memref<4096x512xf32, #tpu.memory_space<hbm>>
      %dma_wait3A_168 = arith.constant 0 : i32
      %dma_wait3A_169 = tpu.memref_slice %dma_wait3A_167[%add3A_152, %dma_wait3A_168] : memref<4096x512xf32, #tpu.memory_space<hbm>> -> memref<64x512xf32, #tpu.memory_space<hbm>>
      %dma_wait3A_170 = arith.constant 0 : i32
      %dma_wait3A_171 = arith.constant 0 : i32
      %dma_wait3A_172 = tpu.memref_slice %arg6[%dma_wait3A_153, %dma_wait3A_170, %dma_wait3A_171] : memref<2x64x512xf32, #tpu.memory_space<vmem>> -> memref<1x64x512xf32, #tpu.memory_space<vmem>>
      %dma_wait3A_173 = tpu.memref_squeeze %dma_wait3A_172 : memref<1x64x512xf32, #tpu.memory_space<vmem>> -> memref<64x512xf32, #tpu.memory_space<vmem>>
      tpu.wait_dma2 semaphore(%arg9 : memref<!tpu.dma_semaphore, #tpu.memory_space<semaphore_mem>>) src(%dma_wait3A_173 : memref<64x512xf32, #tpu.memory_space<vmem>>) dst(%dma_wait3A_169 : memref<64x512xf32, #tpu.memory_space<hbm>>)
      %mul3A_174 = arith.constant 128 : i32
      %mul3A_175 = arith.muli %add3A_149, %mul3A_174 : i32
      %add3A_176 = arith.constant 0 : i32
      %add3A_177 = arith.addi %mul3A_175, %add3A_176 : i32
      %dma_start3A_178 = arith.constant 0 : i32
      %dma_start3A_179 = arith.constant 0 : i32
      %dma_start3A_180 = arith.constant 0 : i32
      %dma_start3A_181 = tpu.memref_slice %arg6[%dma_start3A_178, %dma_start3A_179, %dma_start3A_180] : memref<2x64x512xf32, #tpu.memory_space<vmem>> -> memref<1x64x512xf32, #tpu.memory_space<vmem>>
      %dma_start3A_182 = tpu.memref_squeeze %dma_start3A_181 : memref<1x64x512xf32, #tpu.memory_space<vmem>> -> memref<64x512xf32, #tpu.memory_space<vmem>>
      %dma_start3A_183 = tpu.memref_slice %arg5[%add3A_177] : memref<6400xi32, #tpu.memory_space<vmem>> -> memref<64xi32, #tpu.memory_space<vmem>>
      %dma_start3A_184 = arith.constant 0 : i32
      %dma_start3A_185 = arith.constant 0 : i32
      %dma_start3A_186 = tpu.memref_slice %arg2[%dma_start3A_184, %dma_start3A_185] : memref<4096x512xf32, #tpu.memory_space<hbm>> -> memref<4096x512xf32, #tpu.memory_space<hbm>>
      tpu.enqueue_indirect_dma source(%dma_start3A_186 : memref<4096x512xf32, #tpu.memory_space<hbm>>) target(%dma_start3A_182 : memref<64x512xf32, #tpu.memory_space<vmem>>) offsets(%dma_start3A_183 : memref<64xi32, #tpu.memory_space<vmem>>) semaphore(%arg7 : memref<!tpu.dma_semaphore, #tpu.memory_space<semaphore_mem>>)
      %sub3A_187 = arith.constant 1 : i32
      %sub3A_188 = arith.subi %add3A_149, %sub3A_187 : i32
      %mul3A_189 = arith.constant 128 : i32
      %mul3A_190 = arith.muli %sub3A_188, %mul3A_189 : i32
      %add3A_191 = arith.constant 64 : i32
      %add3A_192 = arith.addi %mul3A_190, %add3A_191 : i32
      %dma_wait3A_193 = arith.constant 1 : i32
      %dma_wait3A_194 = arith.constant 0 : i32
      %dma_wait3A_195 = arith.constant 0 : i32
      %dma_wait3A_196 = tpu.memref_slice %arg6[%dma_wait3A_193, %dma_wait3A_194, %dma_wait3A_195] : memref<2x64x512xf32, #tpu.memory_space<vmem>> -> memref<1x64x512xf32, #tpu.memory_space<vmem>>
      %dma_wait3A_197 = tpu.memref_squeeze %dma_wait3A_196 : memref<1x64x512xf32, #tpu.memory_space<vmem>> -> memref<64x512xf32, #tpu.memory_space<vmem>>
      %dma_wait3A_198 = tpu.memref_slice %arg5[%add3A_192] : memref<6400xi32, #tpu.memory_space<vmem>> -> memref<64xi32, #tpu.memory_space<vmem>>
      %dma_wait3A_199 = arith.constant 0 : i32
      %dma_wait3A_200 = arith.constant 0 : i32
      %dma_wait3A_201 = tpu.memref_slice %arg2[%dma_wait3A_199, %dma_wait3A_200] : memref<4096x512xf32, #tpu.memory_space<hbm>> -> memref<4096x512xf32, #tpu.memory_space<hbm>>
      tpu.wait_indirect_dma semaphore(%arg8 : memref<!tpu.dma_semaphore, #tpu.memory_space<semaphore_mem>>) src(%dma_wait3A_201 : memref<4096x512xf32, #tpu.memory_space<hbm>>) dst(%dma_wait3A_197 : memref<64x512xf32, #tpu.memory_space<vmem>>)
      %add3A_202 = arith.constant 64 : i32
      %add3A_203 = arith.addi %mul3A_2, %add3A_202 : i32
      %dma_start3A_204 = arith.constant 1 : i32
      %dma_start3A_205 = arith.constant 0 : i32
      %dma_start3A_206 = arith.constant 0 : i32
      %dma_start3A_207 = tpu.memref_slice %arg6[%dma_start3A_204, %dma_start3A_205, %dma_start3A_206] : memref<2x64x512xf32, #tpu.memory_space<vmem>> -> memref<1x64x512xf32, #tpu.memory_space<vmem>>
      %dma_start3A_208 = tpu.memref_squeeze %dma_start3A_207 : memref<1x64x512xf32, #tpu.memory_space<vmem>> -> memref<64x512xf32, #tpu.memory_space<vmem>>
      %dma_start3A_209 = arith.constant 0 : i32
      %dma_start3A_210 = arith.constant 0 : i32
      %dma_start3A_211 = tpu.memref_slice %arg4[%sub3A_188, %dma_start3A_209, %dma_start3A_210] : memref<50x4096x512xf32, #tpu.memory_space<hbm>> -> memref<1x4096x512xf32, #tpu.memory_space<hbm>>
      %dma_start3A_212 = tpu.memref_squeeze %dma_start3A_211 : memref<1x4096x512xf32, #tpu.memory_space<hbm>> -> memref<4096x512xf32, #tpu.memory_space<hbm>>
      %dma_start3A_213 = arith.constant 0 : i32
      %dma_start3A_214 = tpu.memref_slice %dma_start3A_212[%add3A_203, %dma_start3A_213] : memref<4096x512xf32, #tpu.memory_space<hbm>> -> memref<64x512xf32, #tpu.memory_space<hbm>>
      %dma_start3A_215 = arith.constant 0 : i32
      %dma_start3A_216 = arith.constant 0 : i32
      %dma_start3A_217 = tpu.memref_slice %arg4[%sub3A_188, %dma_start3A_215, %dma_start3A_216] : memref<50x4096x512xf32, #tpu.memory_space<hbm>> -> memref<1x4096x512xf32, #tpu.memory_space<hbm>>
      %dma_start3A_218 = tpu.memref_squeeze %dma_start3A_217 : memref<1x4096x512xf32, #tpu.memory_space<hbm>> -> memref<4096x512xf32, #tpu.memory_space<hbm>>
      %dma_start3A_219 = arith.constant 0 : i32
      %dma_start3A_220 = tpu.memref_slice %dma_start3A_218[%add3A_203, %dma_start3A_219] : memref<4096x512xf32, #tpu.memory_space<hbm>> -> memref<64x512xf32, #tpu.memory_space<hbm>>
      %dma_start3A_221 = arith.constant 0 : i32
      %dma_start3A_222 = arith.constant 0 : i32
      %dma_start3A_223 = tpu.memref_slice %arg6[%dma_start3A_204, %dma_start3A_221, %dma_start3A_222] : memref<2x64x512xf32, #tpu.memory_space<vmem>> -> memref<1x64x512xf32, #tpu.memory_space<vmem>>
      %dma_start3A_224 = tpu.memref_squeeze %dma_start3A_223 : memref<1x64x512xf32, #tpu.memory_space<vmem>> -> memref<64x512xf32, #tpu.memory_space<vmem>>
      tpu.enqueue_dma source(%dma_start3A_224 : memref<64x512xf32, #tpu.memory_space<vmem>>) target(%dma_start3A_220 : memref<64x512xf32, #tpu.memory_space<hbm>>) target_semaphore(%arg10 : memref<!tpu.dma_semaphore, #tpu.memory_space<semaphore_mem>>)
      %sub3A_225 = arith.constant 1 : i32
      %sub3A_226 = arith.subi %add3A_149, %sub3A_225 : i32
      %add3A_227 = arith.constant 64 : i32
      %add3A_228 = arith.addi %mul3A_2, %add3A_227 : i32
      %dma_wait3A_229 = arith.constant 1 : i32
      %dma_wait3A_230 = arith.constant 0 : i32
      %dma_wait3A_231 = arith.constant 0 : i32
      %dma_wait3A_232 = tpu.memref_slice %arg6[%dma_wait3A_229, %dma_wait3A_230, %dma_wait3A_231] : memref<2x64x512xf32, #tpu.memory_space<vmem>> -> memref<1x64x512xf32, #tpu.memory_space<vmem>>
      %dma_wait3A_233 = tpu.memref_squeeze %dma_wait3A_232 : memref<1x64x512xf32, #tpu.memory_space<vmem>> -> memref<64x512xf32, #tpu.memory_space<vmem>>
      %dma_wait3A_234 = arith.constant 0 : i32
      %dma_wait3A_235 = arith.constant 0 : i32
      %dma_wait3A_236 = tpu.memref_slice %arg4[%sub3A_226, %dma_wait3A_234, %dma_wait3A_235] : memref<50x4096x512xf32, #tpu.memory_space<hbm>> -> memref<1x4096x512xf32, #tpu.memory_space<hbm>>
      %dma_wait3A_237 = tpu.memref_squeeze %dma_wait3A_236 : memref<1x4096x512xf32, #tpu.memory_space<hbm>> -> memref<4096x512xf32, #tpu.memory_space<hbm>>
      %dma_wait3A_238 = arith.constant 0 : i32
      %dma_wait3A_239 = tpu.memref_slice %dma_wait3A_237[%add3A_228, %dma_wait3A_238] : memref<4096x512xf32, #tpu.memory_space<hbm>> -> memref<64x512xf32, #tpu.memory_space<hbm>>
      %dma_wait3A_240 = arith.constant 0 : i32
      %dma_wait3A_241 = arith.constant 0 : i32
      %dma_wait3A_242 = tpu.memref_slice %arg4[%sub3A_226, %dma_wait3A_240, %dma_wait3A_241] : memref<50x4096x512xf32, #tpu.memory_space<hbm>> -> memref<1x4096x512xf32, #tpu.memory_space<hbm>>
      %dma_wait3A_243 = tpu.memref_squeeze %dma_wait3A_242 : memref<1x4096x512xf32, #tpu.memory_space<hbm>> -> memref<4096x512xf32, #tpu.memory_space<hbm>>
      %dma_wait3A_244 = arith.constant 0 : i32
      %dma_wait3A_245 = tpu.memref_slice %dma_wait3A_243[%add3A_228, %dma_wait3A_244] : memref<4096x512xf32, #tpu.memory_space<hbm>> -> memref<64x512xf32, #tpu.memory_space<hbm>>
      %dma_wait3A_246 = arith.constant 0 : i32
      %dma_wait3A_247 = arith.constant 0 : i32
      %dma_wait3A_248 = tpu.memref_slice %arg6[%dma_wait3A_229, %dma_wait3A_246, %dma_wait3A_247] : memref<2x64x512xf32, #tpu.memory_space<vmem>> -> memref<1x64x512xf32, #tpu.memory_space<vmem>>
      %dma_wait3A_249 = tpu.memref_squeeze %dma_wait3A_248 : memref<1x64x512xf32, #tpu.memory_space<vmem>> -> memref<64x512xf32, #tpu.memory_space<vmem>>
      tpu.wait_dma2 semaphore(%arg10 : memref<!tpu.dma_semaphore, #tpu.memory_space<semaphore_mem>>) src(%dma_wait3A_249 : memref<64x512xf32, #tpu.memory_space<vmem>>) dst(%dma_wait3A_245 : memref<64x512xf32, #tpu.memory_space<hbm>>)
      %mul3A_250 = arith.constant 128 : i32
      %mul3A_251 = arith.muli %add3A_149, %mul3A_250 : i32
      %add3A_252 = arith.constant 64 : i32
      %add3A_253 = arith.addi %mul3A_251, %add3A_252 : i32
      %dma_start3A_254 = arith.constant 1 : i32
      %dma_start3A_255 = arith.constant 0 : i32
      %dma_start3A_256 = arith.constant 0 : i32
      %dma_start3A_257 = tpu.memref_slice %arg6[%dma_start3A_254, %dma_start3A_255, %dma_start3A_256] : memref<2x64x512xf32, #tpu.memory_space<vmem>> -> memref<1x64x512xf32, #tpu.memory_space<vmem>>
      %dma_start3A_258 = tpu.memref_squeeze %dma_start3A_257 : memref<1x64x512xf32, #tpu.memory_space<vmem>> -> memref<64x512xf32, #tpu.memory_space<vmem>>
      %dma_start3A_259 = tpu.memref_slice %arg5[%add3A_253] : memref<6400xi32, #tpu.memory_space<vmem>> -> memref<64xi32, #tpu.memory_space<vmem>>
      %dma_start3A_260 = arith.constant 0 : i32
      %dma_start3A_261 = arith.constant 0 : i32
      %dma_start3A_262 = tpu.memref_slice %arg2[%dma_start3A_260, %dma_start3A_261] : memref<4096x512xf32, #tpu.memory_space<hbm>> -> memref<4096x512xf32, #tpu.memory_space<hbm>>
      tpu.enqueue_indirect_dma source(%dma_start3A_262 : memref<4096x512xf32, #tpu.memory_space<hbm>>) target(%dma_start3A_258 : memref<64x512xf32, #tpu.memory_space<vmem>>) offsets(%dma_start3A_259 : memref<64xi32, #tpu.memory_space<vmem>>) semaphore(%arg8 : memref<!tpu.dma_semaphore, #tpu.memory_space<semaphore_mem>>)
      %mul3A_263 = arith.constant 128 : i32
      %mul3A_264 = arith.muli %add3A_149, %mul3A_263 : i32
      %add3A_265 = arith.constant 0 : i32
      %add3A_266 = arith.addi %mul3A_264, %add3A_265 : i32
      %dma_wait3A_267 = arith.constant 0 : i32
      %dma_wait3A_268 = arith.constant 0 : i32
      %dma_wait3A_269 = arith.constant 0 : i32
      %dma_wait3A_270 = tpu.memref_slice %arg6[%dma_wait3A_267, %dma_wait3A_268, %dma_wait3A_269] : memref<2x64x512xf32, #tpu.memory_space<vmem>> -> memref<1x64x512xf32, #tpu.memory_space<vmem>>
      %dma_wait3A_271 = tpu.memref_squeeze %dma_wait3A_270 : memref<1x64x512xf32, #tpu.memory_space<vmem>> -> memref<64x512xf32, #tpu.memory_space<vmem>>
      %dma_wait3A_272 = tpu.memref_slice %arg5[%add3A_266] : memref<6400xi32, #tpu.memory_space<vmem>> -> memref<64xi32, #tpu.memory_space<vmem>>
      %dma_wait3A_273 = arith.constant 0 : i32
      %dma_wait3A_274 = arith.constant 0 : i32
      %dma_wait3A_275 = tpu.memref_slice %arg2[%dma_wait3A_273, %dma_wait3A_274] : memref<4096x512xf32, #tpu.memory_space<hbm>> -> memref<4096x512xf32, #tpu.memory_space<hbm>>
      tpu.wait_indirect_dma semaphore(%arg7 : memref<!tpu.dma_semaphore, #tpu.memory_space<semaphore_mem>>) src(%dma_wait3A_275 : memref<4096x512xf32, #tpu.memory_space<hbm>>) dst(%dma_wait3A_271 : memref<64x512xf32, #tpu.memory_space<vmem>>)
      %add3A_276 = arith.constant 0 : i32
      %add3A_277 = arith.addi %mul3A_2, %add3A_276 : i32
      %dma_start3A_278 = arith.constant 0 : i32
      %dma_start3A_279 = arith.constant 0 : i32
      %dma_start3A_280 = arith.constant 0 : i32
      %dma_start3A_281 = tpu.memref_slice %arg6[%dma_start3A_278, %dma_start3A_279, %dma_start3A_280] : memref<2x64x512xf32, #tpu.memory_space<vmem>> -> memref<1x64x512xf32, #tpu.memory_space<vmem>>
      %dma_start3A_282 = tpu.memref_squeeze %dma_start3A_281 : memref<1x64x512xf32, #tpu.memory_space<vmem>> -> memref<64x512xf32, #tpu.memory_space<vmem>>
      %dma_start3A_283 = arith.constant 0 : i32
      %dma_start3A_284 = arith.constant 0 : i32
      %dma_start3A_285 = tpu.memref_slice %arg4[%add3A_149, %dma_start3A_283, %dma_start3A_284] : memref<50x4096x512xf32, #tpu.memory_space<hbm>> -> memref<1x4096x512xf32, #tpu.memory_space<hbm>>
      %dma_start3A_286 = tpu.memref_squeeze %dma_start3A_285 : memref<1x4096x512xf32, #tpu.memory_space<hbm>> -> memref<4096x512xf32, #tpu.memory_space<hbm>>
      %dma_start3A_287 = arith.constant 0 : i32
      %dma_start3A_288 = tpu.memref_slice %dma_start3A_286[%add3A_277, %dma_start3A_287] : memref<4096x512xf32, #tpu.memory_space<hbm>> -> memref<64x512xf32, #tpu.memory_space<hbm>>
      %dma_start3A_289 = arith.constant 0 : i32
      %dma_start3A_290 = arith.constant 0 : i32
      %dma_start3A_291 = tpu.memref_slice %arg4[%add3A_149, %dma_start3A_289, %dma_start3A_290] : memref<50x4096x512xf32, #tpu.memory_space<hbm>> -> memref<1x4096x512xf32, #tpu.memory_space<hbm>>
      %dma_start3A_292 = tpu.memref_squeeze %dma_start3A_291 : memref<1x4096x512xf32, #tpu.memory_space<hbm>> -> memref<4096x512xf32, #tpu.memory_space<hbm>>
      %dma_start3A_293 = arith.constant 0 : i32
      %dma_start3A_294 = tpu.memref_slice %dma_start3A_292[%add3A_277, %dma_start3A_293] : memref<4096x512xf32, #tpu.memory_space<hbm>> -> memref<64x512xf32, #tpu.memory_space<hbm>>
      %dma_start3A_295 = arith.constant 0 : i32
      %dma_start3A_296 = arith.constant 0 : i32
      %dma_start3A_297 = tpu.memref_slice %arg6[%dma_start3A_278, %dma_start3A_295, %dma_start3A_296] : memref<2x64x512xf32, #tpu.memory_space<vmem>> -> memref<1x64x512xf32, #tpu.memory_space<vmem>>
      %dma_start3A_298 = tpu.memref_squeeze %dma_start3A_297 : memref<1x64x512xf32, #tpu.memory_space<vmem>> -> memref<64x512xf32, #tpu.memory_space<vmem>>
      tpu.enqueue_dma source(%dma_start3A_298 : memref<64x512xf32, #tpu.memory_space<vmem>>) target(%dma_start3A_294 : memref<64x512xf32, #tpu.memory_space<hbm>>) target_semaphore(%arg9 : memref<!tpu.dma_semaphore, #tpu.memory_space<semaphore_mem>>)
    }
    %scan3A_62 = arith.constant 49 : i32
    %dma_wait3A_63 = arith.constant 1 : i32
    %dma_wait3A_64 = arith.constant 0 : i32
    %dma_wait3A_65 = arith.constant 0 : i32
    %dma_wait3A_66 = tpu.memref_slice %arg6[%dma_wait3A_63, %dma_wait3A_64, %dma_wait3A_65] : memref<2x64x512xf32, #tpu.memory_space<vmem>> -> memref<1x64x512xf32, #tpu.memory_space<vmem>>
    %dma_wait3A_67 = tpu.memref_squeeze %dma_wait3A_66 : memref<1x64x512xf32, #tpu.memory_space<vmem>> -> memref<64x512xf32, #tpu.memory_space<vmem>>
    %dma_wait3A_68 = arith.constant 6336 : i32
    %dma_wait3A_69 = tpu.memref_slice %arg5[%dma_wait3A_68] : memref<6400xi32, #tpu.memory_space<vmem>> -> memref<64xi32, #tpu.memory_space<vmem>>
    %dma_wait3A_70 = arith.constant 0 : i32
    %dma_wait3A_71 = arith.constant 0 : i32
    %dma_wait3A_72 = tpu.memref_slice %arg2[%dma_wait3A_70, %dma_wait3A_71] : memref<4096x512xf32, #tpu.memory_space<hbm>> -> memref<4096x512xf32, #tpu.memory_space<hbm>>
    tpu.wait_indirect_dma semaphore(%arg8 : memref<!tpu.dma_semaphore, #tpu.memory_space<semaphore_mem>>) src(%dma_wait3A_72 : memref<4096x512xf32, #tpu.memory_space<hbm>>) dst(%dma_wait3A_67 : memref<64x512xf32, #tpu.memory_space<vmem>>)
    %add3A_73 = arith.constant 64 : i32
    %add3A_74 = arith.addi %mul3A_2, %add3A_73 : i32
    %dma_start3A_75 = arith.constant 1 : i32
    %dma_start3A_76 = arith.constant 49 : i32
    %dma_start3A_77 = arith.constant 0 : i32
    %dma_start3A_78 = arith.constant 0 : i32
    %dma_start3A_79 = tpu.memref_slice %arg6[%dma_start3A_75, %dma_start3A_77, %dma_start3A_78] : memref<2x64x512xf32, #tpu.memory_space<vmem>> -> memref<1x64x512xf32, #tpu.memory_space<vmem>>
    %dma_start3A_80 = tpu.memref_squeeze %dma_start3A_79 : memref<1x64x512xf32, #tpu.memory_space<vmem>> -> memref<64x512xf32, #tpu.memory_space<vmem>>
    %dma_start3A_81 = arith.constant 0 : i32
    %dma_start3A_82 = arith.constant 0 : i32
    %dma_start3A_83 = tpu.memref_slice %arg4[%dma_start3A_76, %dma_start3A_81, %dma_start3A_82] : memref<50x4096x512xf32, #tpu.memory_space<hbm>> -> memref<1x4096x512xf32, #tpu.memory_space<hbm>>
    %dma_start3A_84 = tpu.memref_squeeze %dma_start3A_83 : memref<1x4096x512xf32, #tpu.memory_space<hbm>> -> memref<4096x512xf32, #tpu.memory_space<hbm>>
    %dma_start3A_85 = arith.constant 0 : i32
    %dma_start3A_86 = tpu.memref_slice %dma_start3A_84[%add3A_74, %dma_start3A_85] : memref<4096x512xf32, #tpu.memory_space<hbm>> -> memref<64x512xf32, #tpu.memory_space<hbm>>
    %dma_start3A_87 = arith.constant 0 : i32
    %dma_start3A_88 = arith.constant 0 : i32
    %dma_start3A_89 = tpu.memref_slice %arg4[%dma_start3A_76, %dma_start3A_87, %dma_start3A_88] : memref<50x4096x512xf32, #tpu.memory_space<hbm>> -> memref<1x4096x512xf32, #tpu.memory_space<hbm>>
    %dma_start3A_90 = tpu.memref_squeeze %dma_start3A_89 : memref<1x4096x512xf32, #tpu.memory_space<hbm>> -> memref<4096x512xf32, #tpu.memory_space<hbm>>
    %dma_start3A_91 = arith.constant 0 : i32
    %dma_start3A_92 = tpu.memref_slice %dma_start3A_90[%add3A_74, %dma_start3A_91] : memref<4096x512xf32, #tpu.memory_space<hbm>> -> memref<64x512xf32, #tpu.memory_space<hbm>>
    %dma_start3A_93 = arith.constant 0 : i32
    %dma_start3A_94 = arith.constant 0 : i32
    %dma_start3A_95 = tpu.memref_slice %arg6[%dma_start3A_75, %dma_start3A_93, %dma_start3A_94] : memref<2x64x512xf32, #tpu.memory_space<vmem>> -> memref<1x64x512xf32, #tpu.memory_space<vmem>>
    %dma_start3A_96 = tpu.memref_squeeze %dma_start3A_95 : memref<1x64x512xf32, #tpu.memory_space<vmem>> -> memref<64x512xf32, #tpu.memory_space<vmem>>
    tpu.enqueue_dma source(%dma_start3A_96 : memref<64x512xf32, #tpu.memory_space<vmem>>) target(%dma_start3A_92 : memref<64x512xf32, #tpu.memory_space<hbm>>) target_semaphore(%arg10 : memref<!tpu.dma_semaphore, #tpu.memory_space<semaphore_mem>>)
    %add3A_97 = arith.constant 0 : i32
    %add3A_98 = arith.addi %mul3A_2, %add3A_97 : i32
    %dma_wait3A_99 = arith.constant 0 : i32
    %dma_wait3A_100 = arith.constant 49 : i32
    %dma_wait3A_101 = arith.constant 0 : i32
    %dma_wait3A_102 = arith.constant 0 : i32
    %dma_wait3A_103 = tpu.memref_slice %arg6[%dma_wait3A_99, %dma_wait3A_101, %dma_wait3A_102] : memref<2x64x512xf32, #tpu.memory_space<vmem>> -> memref<1x64x512xf32, #tpu.memory_space<vmem>>
    %dma_wait3A_104 = tpu.memref_squeeze %dma_wait3A_103 : memref<1x64x512xf32, #tpu.memory_space<vmem>> -> memref<64x512xf32, #tpu.memory_space<vmem>>
    %dma_wait3A_105 = arith.constant 0 : i32
    %dma_wait3A_106 = arith.constant 0 : i32
    %dma_wait3A_107 = tpu.memref_slice %arg4[%dma_wait3A_100, %dma_wait3A_105, %dma_wait3A_106] : memref<50x4096x512xf32, #tpu.memory_space<hbm>> -> memref<1x4096x512xf32, #tpu.memory_space<hbm>>
    %dma_wait3A_108 = tpu.memref_squeeze %dma_wait3A_107 : memref<1x4096x512xf32, #tpu.memory_space<hbm>> -> memref<4096x512xf32, #tpu.memory_space<hbm>>
    %dma_wait3A_109 = arith.constant 0 : i32
    %dma_wait3A_110 = tpu.memref_slice %dma_wait3A_108[%add3A_98, %dma_wait3A_109] : memref<4096x512xf32, #tpu.memory_space<hbm>> -> memref<64x512xf32, #tpu.memory_space<hbm>>
    %dma_wait3A_111 = arith.constant 0 : i32
    %dma_wait3A_112 = arith.constant 0 : i32
    %dma_wait3A_113 = tpu.memref_slice %arg4[%dma_wait3A_100, %dma_wait3A_111, %dma_wait3A_112] : memref<50x4096x512xf32, #tpu.memory_space<hbm>> -> memref<1x4096x512xf32, #tpu.memory_space<hbm>>
    %dma_wait3A_114 = tpu.memref_squeeze %dma_wait3A_113 : memref<1x4096x512xf32, #tpu.memory_space<hbm>> -> memref<4096x512xf32, #tpu.memory_space<hbm>>
    %dma_wait3A_115 = arith.constant 0 : i32
    %dma_wait3A_116 = tpu.memref_slice %dma_wait3A_114[%add3A_98, %dma_wait3A_115] : memref<4096x512xf32, #tpu.memory_space<hbm>> -> memref<64x512xf32, #tpu.memory_space<hbm>>
    %dma_wait3A_117 = arith.constant 0 : i32
    %dma_wait3A_118 = arith.constant 0 : i32
    %dma_wait3A_119 = tpu.memref_slice %arg6[%dma_wait3A_99, %dma_wait3A_117, %dma_wait3A_118] : memref<2x64x512xf32, #tpu.memory_space<vmem>> -> memref<1x64x512xf32, #tpu.memory_space<vmem>>
    %dma_wait3A_120 = tpu.memref_squeeze %dma_wait3A_119 : memref<1x64x512xf32, #tpu.memory_space<vmem>> -> memref<64x512xf32, #tpu.memory_space<vmem>>
    tpu.wait_dma2 semaphore(%arg9 : memref<!tpu.dma_semaphore, #tpu.memory_space<semaphore_mem>>) src(%dma_wait3A_120 : memref<64x512xf32, #tpu.memory_space<vmem>>) dst(%dma_wait3A_116 : memref<64x512xf32, #tpu.memory_space<hbm>>)
    %add3A_121 = arith.constant 64 : i32
    %add3A_122 = arith.addi %mul3A_2, %add3A_121 : i32
    %dma_wait3A_123 = arith.constant 1 : i32
    %dma_wait3A_124 = arith.constant 49 : i32
    %dma_wait3A_125 = arith.constant 0 : i32
    %dma_wait3A_126 = arith.constant 0 : i32
    %dma_wait3A_127 = tpu.memref_slice %arg6[%dma_wait3A_123, %dma_wait3A_125, %dma_wait3A_126] : memref<2x64x512xf32, #tpu.memory_space<vmem>> -> memref<1x64x512xf32, #tpu.memory_space<vmem>>
    %dma_wait3A_128 = tpu.memref_squeeze %dma_wait3A_127 : memref<1x64x512xf32, #tpu.memory_space<vmem>> -> memref<64x512xf32, #tpu.memory_space<vmem>>
    %dma_wait3A_129 = arith.constant 0 : i32
    %dma_wait3A_130 = arith.constant 0 : i32
    %dma_wait3A_131 = tpu.memref_slice %arg4[%dma_wait3A_124, %dma_wait3A_129, %dma_wait3A_130] : memref<50x4096x512xf32, #tpu.memory_space<hbm>> -> memref<1x4096x512xf32, #tpu.memory_space<hbm>>
    %dma_wait3A_132 = tpu.memref_squeeze %dma_wait3A_131 : memref<1x4096x512xf32, #tpu.memory_space<hbm>> -> memref<4096x512xf32, #tpu.memory_space<hbm>>
    %dma_wait3A_133 = arith.constant 0 : i32
    %dma_wait3A_134 = tpu.memref_slice %dma_wait3A_132[%add3A_122, %dma_wait3A_133] : memref<4096x512xf32, #tpu.memory_space<hbm>> -> memref<64x512xf32, #tpu.memory_space<hbm>>
    %dma_wait3A_135 = arith.constant 0 : i32
    %dma_wait3A_136 = arith.constant 0 : i32
    %dma_wait3A_137 = tpu.memref_slice %arg4[%dma_wait3A_124, %dma_wait3A_135, %dma_wait3A_136] : memref<50x4096x512xf32, #tpu.memory_space<hbm>> -> memref<1x4096x512xf32, #tpu.memory_space<hbm>>
    %dma_wait3A_138 = tpu.memref_squeeze %dma_wait3A_137 : memref<1x4096x512xf32, #tpu.memory_space<hbm>> -> memref<4096x512xf32, #tpu.memory_space<hbm>>
    %dma_wait3A_139 = arith.constant 0 : i32
    %dma_wait3A_140 = tpu.memref_slice %dma_wait3A_138[%add3A_122, %dma_wait3A_139] : memref<4096x512xf32, #tpu.memory_space<hbm>> -> memref<64x512xf32, #tpu.memory_space<hbm>>
    %dma_wait3A_141 = arith.constant 0 : i32
    %dma_wait3A_142 = arith.constant 0 : i32
    %dma_wait3A_143 = tpu.memref_slice %arg6[%dma_wait3A_123, %dma_wait3A_141, %dma_wait3A_142] : memref<2x64x512xf32, #tpu.memory_space<vmem>> -> memref<1x64x512xf32, #tpu.memory_space<vmem>>
    %dma_wait3A_144 = tpu.memref_squeeze %dma_wait3A_143 : memref<1x64x512xf32, #tpu.memory_space<vmem>> -> memref<64x512xf32, #tpu.memory_space<vmem>>
    tpu.wait_dma2 semaphore(%arg10 : memref<!tpu.dma_semaphore, #tpu.memory_space<semaphore_mem>>) src(%dma_wait3A_144 : memref<64x512xf32, #tpu.memory_space<vmem>>) dst(%dma_wait3A_140 : memref<64x512xf32, #tpu.memory_space<hbm>>)
    return
  }
}

</mosaic_0001>

<sc_bundles>
// kernel: kernel.3.cloned.1.call-start
scs
__scs_entry_jumppad:
0x0: {  	(pc) =	sbr.rel $0x88, $3  }
0x1: {  	(tag) =	ssettag $0x0;
	lr =	simm.s32 $0x1  }
0x2: {  	[smem:$0x3F9F] =	sst lr;
	_ =	strace $0xD0000000  }
0x3: {  	_ = 	snop  }
0x4: {  	_ = 	snop  }
0x5: {  	_ = 	snop  }
0x6: {  	_ = 	snop  }
0x7: {  	_ = 	snop  }
__scs_overlays_trampoline_lowered:
0x8: {  	[smem:$0x3FAE] =	sst s0  }
0x9: {  	[smem:$0x3FAF] =	sst s1  }
0xa: {  	[smem:$0x3FB0] =	sst s2  }
0xb: {  	[smem:$0x3FB1] =	sst s3  }
0xc: {  	[smem:$0x3FB2] =	sst s4  }
0xd: {  	[smem:$0x3FB3] =	sst s5  }
0xe: {  	[smem:$0x3FB4] =	sst s6  }
0xf: {  	[smem:$0x3FB5] =	sst s7  }
0x10: {  	[smem:$0x3FB6] =	sst s8  }
0x11: {  	[smem:$0x3FB7] =	sst s9;
	s0 =	simm.s32 @!p0 $0x0  }
0x12: {  	s1 =	sld [smem:$0x3F9D];
	s0 =	simm.s32 @p0 $0x1  }
0x13: {  	[smem:$0x3FB8] =	sst s0;
	s0 =	simm.s32 @!p1 $0x0  }
0x14: {  	s2 =	sld [smem:$0x3F9C];
	s0 =	simm.s32 @p1 $0x1  }
0x15: {  	[smem:$0x3FB9] =	sst s0;
	s0 =	simm.s32 @!p2 $0x0  }
0x16: {  	s3 =	sld [smem:$0x3FDB];
	s0 =	simm.s32 @p2 $0x1  }
0x17: {  	s4 =	simm.s32 $0x1BF5;
	[smem:$0x3FBB] =	sst s0  }
0x18: {  	s0 =	sld [smem:$0x3F9E];
	_ =	swait.ge [sflag:s4], $0x0  }
0x19: {  	s7 =	sld [smem:$0x3F9F]  }
0x1a: {  	s8 =	sadd.s32 $0xFFFFE003, lr  }
0x1b: {  	s9 =	sadd.s32 $0xFFFFFEF7, lr;
	s5 =	simm.s32 $0xFFFFFFFF;
	p2 =	slt.u32 s8, $0xFFFFF086  }
0x1c: {  	p1 =	slt.u32 s9, $0xF7A;
	s5 =	simm.s32 @!p2 $0x0  }
0x1d: {  	s5 =	simm.s32 @p1 $0x1;
	p0 =	seq.s32 s7, s2  }
0x1e: {  	s7 =	smul.u32 @!p0 $0xF7A, s2;
	p2 =	seq.s32 @!p0 s5, $0x0  }
0x1f: {  	s9 =	smul.u32 $0xF7A, s1;
	s8 =	simm.s32 @!p0 $0x1BF5;
	p2 =	por !p2, p0  }
0x20: {  	[sflag:s8] =	ssyncset.s32 @!p0 $0xFFFFF086;
	s6 =	sadd.s32 @!p0 s3, s7;
	s7 =	simm.s32 @!p0 $0x108  }
0x21: {  	s3 =	sadd.s32 s3, s9;
	s6 =	sadd.s32 @!p0 $0x88, s6;
	s7 =	simm.s32 @p2 $0x1082  }
0x22: {  	[simem:s7], [sflag:s8] =	dma.local @!p0 [hbm:s6], $0xF7A  }
0x23: {  	s9 =	sor.u32 $0xD0000000, s2;
	s6 =	simm.s32 $0x108;
	_ =	swait.ge @!p0 [sflag:s8], $0x0  }
0x24: {  	s3 =	sadd.s32 $0x88, s3;
	s6 =	simm.s32 @!p1 $0x1082;
	[sflag:s4] =	ssyncset.s32 $0xFFFFF086  }
0x25: {  	[simem:s6], [sflag:s4] =	dma.local [hbm:s3], $0xF7A  }
0x26: {  	[smem:$0x3F9F] =	sst s1;
	(tag) =	ssettag s2;
	_ =	strace s9  }
0x27: {  	s1 =	sld [smem:$0x3FAF]  }
0x28: {  	s2 =	sld [smem:$0x3FB0]  }
0x29: {  	s4 =	sld [smem:$0x3FB2]  }
0x2a: {  	p0 =	seq.s32 s5, $0x0;
	s5 =	sld [smem:$0x3FB3]  }
0x2b: {  	s6 =	sld [smem:$0x3FB4]  }
0x2c: {  	s7 =	sld [smem:$0x3FB5]  }
0x2d: {  	s3 =	simm.s32 $0x108;
	s8 =	sld [smem:$0x3FB6]  }
0x2e: {  	s3 =	simm.s32 @!p0 $0x1082;
	s9 =	sld [smem:$0x3FB7]  }
0x2f: {  	lr =	sadd.s32 s0, s3;
	s0 =	sld [smem:$0x3FAE]  }
0x30: {  	s3 =	sld [smem:$0x3FB1]  }
0x31: {  	[smem:$0x3FBA] =	sst s10  }
0x32: {  	s10 =	sld [smem:$0x3FB8];
	_ =	sdelay $0x3  }
0x33: {  	p0 =	seq.s32 s10, $0x1;
	s10 =	sld [smem:$0x3FBA];
	_ =	sdelay $0x3  }
0x34: {  	[smem:$0x3FBA] =	sst s10  }
0x35: {  	s10 =	sld [smem:$0x3FB9];
	_ =	sdelay $0x3  }
0x36: {  	p1 =	seq.s32 s10, $0x1;
	s10 =	sld [smem:$0x3FBA];
	_ =	sdelay $0x3  }
0x37: {  	[smem:$0x3FBA] =	sst s10  }
0x38: {  	s10 =	sld [smem:$0x3FBB]  }
0x39: {  	_ = 	snop;
	(pc) =	sbr.ind lr, $3  }
0x3a: {  	_ = 	snop  }
0x3b: {  	_ = 	snop  }
0x3c: {  	p2 =	seq.s32 s10, $0x1;
	s10 =	sld [smem:$0x3FBA]  }
0x3d: {  	_ =	shalt  }
0x3e: {  	_ =	shalt  }
0x3f: {  	_ =	shalt  }
0x40: {  	_ =	shalt  }
0x41: {  	_ =	shalt  }
0x42: {  	_ =	shalt  }
0x43: {  	_ =	shalt  }
0x44: {  	_ =	shalt  }
0x45: {  	_ =	shalt  }
0x46: {  	_ =	shalt  }
0x47: {  	_ =	shalt  }
0x48: {  	_ =	shalt  }
0x49: {  	_ =	shalt  }
0x4a: {  	_ =	shalt  }
0x4b: {  	_ =	shalt  }
0x4c: {  	_ =	shalt  }
0x4d: {  	_ =	shalt  }
0x4e: {  	_ =	shalt  }
0x4f: {  	_ =	shalt  }
0x50: {  	_ =	shalt  }
0x51: {  	_ =	shalt  }
0x52: {  	_ =	shalt  }
0x53: {  	_ =	shalt  }
0x54: {  	_ =	shalt  }
0x55: {  	_ =	shalt  }
0x56: {  	_ =	shalt  }
0x57: {  	_ =	shalt  }
0x58: {  	_ =	shalt  }
0x59: {  	_ =	shalt  }
0x5a: {  	_ =	shalt  }
0x5b: {  	_ =	shalt  }
0x5c: {  	_ =	shalt  }
0x5d: {  	_ =	shalt  }
0x5e: {  	_ =	shalt  }
0x5f: {  	_ =	shalt  }
0x60: {  	_ =	shalt  }
0x61: {  	_ =	shalt  }
0x62: {  	_ =	shalt  }
0x63: {  	_ =	shalt  }
0x64: {  	_ =	shalt  }
0x65: {  	_ =	shalt  }
0x66: {  	_ =	shalt  }
0x67: {  	_ =	shalt  }
0x68: {  	_ =	shalt  }
0x69: {  	_ =	shalt  }
0x6a: {  	_ =	shalt  }
0x6b: {  	_ =	shalt  }
0x6c: {  	_ =	shalt  }
0x6d: {  	_ =	shalt  }
0x6e: {  	_ =	shalt  }
0x6f: {  	_ =	shalt  }
0x70: {  	_ =	shalt  }
0x71: {  	_ =	shalt  }
0x72: {  	_ =	shalt  }
0x73: {  	_ =	shalt  }
0x74: {  	_ =	shalt  }
0x75: {  	_ =	shalt  }
0x76: {  	_ =	shalt  }
0x77: {  	_ =	shalt  }
0x78: {  	_ =	shalt  }
0x79: {  	_ =	shalt  }
0x7a: {  	_ =	shalt  }
0x7b: {  	_ =	shalt  }
0x7c: {  	_ =	shalt  }
0x7d: {  	_ =	shalt  }
0x7e: {  	_ =	shalt  }
0x7f: {  	_ =	shalt  }
0x80: {  	_ =	shalt  }
0x81: {  	_ =	shalt  }
0x82: {  	_ =	shalt  }
0x83: {  	_ =	shalt  }
0x84: {  	_ =	shalt  }
0x85: {  	_ =	shalt  }
0x86: {  	_ =	shalt  }
0x87: {  	_ =	shalt  }
.Lfunc_end0:
.L_simem_size_0:
called_computation_lowered:
.L_overlay_start_0:
0x88: {  	s2 =	sld [smem:$0x3FD9]  }
0x89: {  	s3 =	sld [smem:$0x3FFE];
	_ =	sdelay $0x1  }
0x8a: {  	s1 =	srdreg.scid  }
0x8b: {  	s0 =	sand.u32 $0x1, s1  }
0x8c: {  	s17 =	sshll.u32 s0, $0xA;
	s2 =	sadd.s32 s3, s2  }
0x8d: {  	s2 =	sadd.s32 s2, s17  }
0x8e: {  	[smem:$0x3FC6] =	sst s2  }
0x8f: {  	_ = 	snop  }
0x90: {  	s2 =	sld [smem:$0x3FD0];
	(tm) =	ssettm $0x1  }
0x91: {  	s18 =	sld [smem:$0x3FFB];
	_ =	sdelay $0x3  }
0x92: {  	_ =	strace s18  }
0x93: {  	s3 =	sld [smem:$0x3FFC];
	_ =	sdelay $0x3  }
0x94: {  	_ =	strace s3  }
0x95: {  	s3 =	sld [smem:$0x3FFD];
	_ =	sdelay $0x3  }
0x96: {  	_ =	strace s3  }
0x97: {  	_ =	strace $0x8FFFFFFF  }
0x98: {  	s19 =	sld [smem:$0x3FDB];
	_ =	sdelay $0x1  }
0x99: {  	s4 =	simm.s32 $_scs_section_size  }
0x9a: {  	s5 =	simm.s32 $_size__tile_overlayer_lowered;
	s6 =	simm.s32 $_tile_overlayer_lowered  }
0x9b: {  	s22 =	simm.s32 $0x1BFF;
	s21 =	sshll.u32 s6, $0x1;
	s3 =	sadd.s32 s4, s19  }
0x9c: {  	s7 =	simm.s32 $0x0;
	s20 =	sshll.u32 s5, $0x1;
	s5 =	sadd.s32 s21, s3  }
0x9d: {  	[timem:s7], [sflag:s22] =	dma.local [hbm:s5], s20  }
0x9e: {  	_ =	swait.ge [sflag:s22], s20  }
0x9f: {  	s4 =	ssub.s32 $0x0, s20;
	[sflag:s22] =	ssyncset.done $0x0  }
0xa0: {  	[sflag:s22] =	ssyncadd.s32 s4;
	_ =	sdelay $0x1  }
0xa1: {  	s23 =	simm.s32 $0x1B8B  }
0xa2: {  	_ =	swait.ge [sflag:s23], $0x1  }
0xa3: {  	[sflag:s23] =	ssyncset.done $0x0  }
0xa4: {  	s25 =	simm.s32 $0x1B8E;
	s24 =	sld [smem:$0x3FFE];
	[sflag:s23] =	ssyncadd.s32 $0xFFFFFFFF  }
0xa5: {  	s26 =	simm.s32 $execute0_lowered;
	[smem:$0x3FD2] =	sst s25  }
0xa6: {  	s5 =	sshll.u32 s26, $0x1;
	_ =	strace $0x80000046;
	[dreg:$0x1] =	wrdreg $0xFFFFFFFF  }
0xa7: {  	s28 =	simm.s32 $_size_execute0_lowered;
	s3 =	sadd.s32 s3, s5;
	[dreg:$0x0] =	wrdreg $0x0  }
0xa8: {  	s5 =	sshll.u32 s28, $0x1;
	[dreg:$0x2] =	wrdreg s3  }
0xa9: {  	[dreg:$0x3] =	wrdreg s5  }
0xaa: {  	[dreg:$0x4] =	wrdreg $0xC0  }
0xab: {  	_ =	task [dreg:s7], $0x5FFFF  }
0xac: {  	[dreg:$0x1] =	wrdreg $0xFFFFFFFF  }
0xad: {  	[dreg:$0x0] =	wrdreg $0x60  }
0xae: {  	[dreg:$0x2] =	wrdreg s24  }
0xaf: {  	[dreg:$0x3] =	wrdreg s2  }
0xb0: {  	[dreg:$0x4] =	wrdreg $0x9  }
0xb1: {  	_ =	task.clear_ibuf [dreg:s7], $0x5FFFF;
	_ =	strace $0x90000046  }
0xb2: {  	s29 =	simm.s32 $0x9;
	_ =	strace $0x80000048  }
0xb3: {  	_ =	swait.ge [sflag:s29], $0x1  }
0xb4: {  	[sflag:s29] =	ssyncadd.s32 $0xFFFFFFFF  }
0xb5: {  	_ =	strace $0x90000048  }
0xb6: {  	_ =	sfence  }
0xb7: {  	s30 =	sld [smem:$0x0];
	_ =	sdelay $0x2  }
0xb8: {  	s31 =	sshll.u32 s1, $0xD;
	s1 =	sshrl.u32 s1, $0x2  }
0xb9: {  	s3 =	sand.u32 $0x4000, s31;
	s1 =	sadd.s32 s1, s30  }
0xba: {  	s0 =	sor.u32 s3, s0;
	s1 =	sshll.u32 s1, $0x11  }
0xbb: {  	s0 =	sor.u32 s1, s0  }
0xbc: {  	s0 =	sadd.s32 $0x8F2B, s0  }
0xbd: {  	[sflag:s0] =	ssyncadd.remote.s32 $0x1  }
0xbe: {  	_ =	sfence.sel $0xFFFF  }
0xbf: {  	[dreg:$0x0] =	wrdreg $0xFFFFFFFF;
	(pc) =	sbr.abs _section_cstart, $3  }
0xc0: {  	[dreg:$0x1] =	wrdreg $0xFFFFFFFF  }
0xc1: {  	_ =	task.clear_ibuf [dreg:s7], $0x2FFFF;
	_ =	strace $0x9FFFFFFF  }
0xc2: {  	(tm) =	ssettm $0x7FFFFFFF  }
0xc3: {  	_ =	shalt  }
tec
execute0_lowered:
.L_overlay_start_1:
0x0: {  	(tag) =	ssettag $0x1  }
0x1: {  	s0 =	rddreg [dreg:$0x0];
	s1 =	srdreg.scid  }
0x2: {  	s2 =	stileid.u32;
	s26 =	rddreg [dreg:$0x1]  }
0x3: {  	s3 =	simm.s32 $0x0;
	s9 =	simm.s32 $0x1900;
	s28 =	simm.s32 $0x2100  }
0x4: {  	s29 =	simm.s32 $0x2900;
	s24 =	simm.s32 $0x3100;
	s12 =	simm.s32 $0x3900  }
0x5: {  	s31 =	simm.s32 $0x4100;
	s14 =	simm.s32 $0x8900;
	s15 =	simm.s32 $0x9100  }
0x6: {  	s16 =	simm.s32 $0xA100;
	s17 =	simm.s32 $0xA900;
	s8 =	simm.s32 $0xB900  }
0x7: {  	s10 =	simm.s32 $0xC100;
	s18 =	simm.s32 $0xC900;
	s11 =	simm.s32 $0xD100  }
0x8: {  	s13 =	simm.s32 $0xE100;
	s30 =	simm.s32 $0xF900;
	s19 =	simm.s32 $0x1  }
0x9: {  	s1 =	sand.u32 $0x1, s1;
	s2 =	sshll.u32 s2, $0x1;
	[smem:$0x7FF] =	sst s3  }
0xa: {  	s4 =	sadd.s32 $0x6800, s0;
	s25 =	sadd.s32 $0xC40000, s26;
	s2 =	sor.u32 s1, s2  }
0xb: {  	s1 =	ssub.s32 $0x2, s1;
	_ =	strace $0x80000047;
	s5 =	smul.u32 $0x320, s2  }
0xc: {  	s6 =	sshrl.u32 s1, $0x1;
	s20 =	sshll.u32 s2, $0xD;
	s2 =	simm.s32 $0xD900  }
0xd: {  	s1 =	ssub.s32 s1, s6;
	s22 =	sadd.s32 s26, s20;
	[dreg:$0x7] =	wrdreg s20  }
0xe: {  	s23 =	sor.u32 $0x1000, s20;
	s6 =	simm.s32 $0xB100;
	s20 =	simm.s32 $0x3  }
0xf: {  	s7 =	sadd.s32 s5, s0;
	[dreg:$0x4] =	wrdreg s22;
	s1 =	smax.u32 s1, $0x1  }
0x10: {  	[dreg:$0x8] =	wrdreg s23;
	s5 =	simm.s32 $0xE900;
	s22 =	simm.s32 $0x4  }
0x11: {  	s21 =	sadd.s32 $0x400, s7;
	s7 =	sadd.s32 $0x6900, s0;
	[dreg:$0x5] =	wrdreg s1  }
0x12: {  	v2 =	vlaneseq.u32;
	s0 =	sadd.s32 s25, s23;
	s1 =	simm.s32 $0x9900;
	[dreg:$0x3] =	wrdreg s21  }
0x13: {  	vm0 =	vmmov $0xffff;
	v1 =	vshrl.u32 v2, $0x3;
	s25 =	simm.s32 $0xF100;
	s23 =	simm.s32 $0x0;
	[dreg:$0x6] =	wrdreg s0  }
0x14: {  	v0 =	vand.u32 $0x7, v2;
	v2 =	vor.u32 $0x8, v2;
	v1 =	vmul.u32 $0x8, v1;
	s0 =	simm.s32 $0x8100;
	s21 =	simm.s32 $0x2;
	[dreg:$0x9] =	wrdreg s23  }
.LBB2_1:
0x15: {  	s23 =	rddreg [dreg:$0x3]  }
0x16: {  	[tilespmem:s3], [sflag:$0x5] =	stream.linear.gather [hbm4b:s23+s3], $0x1900, $0x38;
	[tilespmem:$0x11900] =	vst v63  }
0x17: {  	s23 =	simm.s32 $0x5  }
0x18: {  	_ =	swait.ge [sflag:s23], $0x1900  }
0x19: {  	[sflag:s23] =	ssyncset.done $0x0  }
0x1a: {  	[sflag:s23] =	ssyncadd.s32 $0xFFFFE700  }
0x1b: {  	v3 =	vld [tilespmem:$0x0];
	_ =	sdelay $0x4  }
0x1c: {  	v4 =	vshll.u32 v3, $0x2  }
0x1d: {  	v3 =	vand.u32 $0x7, v3;
	v4 =	vand.u32 $0xFFFFFFE0, v4  }
0x1e: {  	v3 =	vor.u32 v3, v4  }
0x1f: {  	v4 =	vperm.xlane v3, v0;
	_ =	sdelay $0x1  }
0x20: {  	v4 =	vadd.s32 v1, v4;
	_ =	sdelay $0x1  }
0x21: {  	v3 =	vperm.xlane v3, v2;
	_ =	sdelay $0x1  }
0x22: {  	v3 =	vadd.s32 v1, v3  }
0x23: {  	[tilespmem:s9], [sflag:$0x1] =	stream.indirect_vreg.gather [hbm4b:s4+s3], $0x80, v4, vm0, $0xb8;
	[tilespmem:$0x11900] =	vst v63  }
0x24: {  	_ = 	snop  }
0x25: {  	[tilespmem:s28], [sflag:$0x1] =	stream.indirect_vreg.gather [hbm4b:s7+s3], $0x80, v4, vm0, $0xb8;
	[tilespmem:$0x11900] =	vst v63  }
0x26: {  	_ = 	snop  }
0x27: {  	[tilespmem:s29], [sflag:$0x1] =	stream.indirect_vreg.gather [hbm4b:s4+s3], $0x80, v3, vm0, $0xb8;
	[tilespmem:$0x11900] =	vst v63  }
0x28: {  	_ = 	snop  }
0x29: {  	[tilespmem:s24], [sflag:$0x1] =	stream.indirect_vreg.gather [hbm4b:s7+s3], $0x80, v3, vm0, $0xb8;
	[tilespmem:$0x11900] =	vst v63  }
0x2a: {  	v3 =	vld [tilespmem:$0x10];
	_ =	sdelay $0x4  }
0x2b: {  	v57 =	vshll.u32 v3, $0x2  }
0x2c: {  	v3 =	vand.u32 $0x7, v3;
	v4 =	vand.u32 $0xFFFFFFE0, v57  }
0x2d: {  	v3 =	vor.u32 v3, v4  }
0x2e: {  	v4 =	vperm.xlane v3, v0;
	_ =	sdelay $0x1  }
0x2f: {  	v4 =	vadd.s32 v1, v4;
	_ =	sdelay $0x1  }
0x30: {  	v3 =	vperm.xlane v3, v2;
	_ =	sdelay $0x1  }
0x31: {  	v3 =	vadd.s32 v1, v3  }
0x32: {  	[tilespmem:s12], [sflag:$0x1] =	stream.indirect_vreg.gather [hbm4b:s4+s3], $0x80, v4, vm0, $0xb8;
	[tilespmem:$0x11900] =	vst v63  }
0x33: {  	_ = 	snop  }
0x34: {  	[tilespmem:s31], [sflag:$0x1] =	stream.indirect_vreg.gather [hbm4b:s7+s3], $0x80, v4, vm0, $0xb8;
	[tilespmem:$0x11900] =	vst v63  }
0x35: {  	s24 =	simm.s32 $0x4900  }
0x36: {  	[tilespmem:s24], [sflag:$0x1] =	stream.indirect_vreg.gather [hbm4b:s4+s3], $0x80, v3, vm0, $0xb8;
	[tilespmem:$0x11900] =	vst v63  }
0x37: {  	s23 =	simm.s32 $0x5100  }
0x38: {  	[tilespmem:s23], [sflag:$0x1] =	stream.indirect_vreg.gather [hbm4b:s7+s3], $0x80, v3, vm0, $0xb8;
	[tilespmem:$0x11900] =	vst v63  }
0x39: {  	v3 =	vld [tilespmem:$0x20];
	_ =	sdelay $0x4  }
0x3a: {  	v58 =	vshll.u32 v3, $0x2  }
0x3b: {  	v3 =	vand.u32 $0x7, v3;
	v4 =	vand.u32 $0xFFFFFFE0, v58  }
0x3c: {  	v3 =	vor.u32 v3, v4  }
0x3d: {  	v4 =	vperm.xlane v3, v0;
	_ =	sdelay $0x1  }
0x3e: {  	v4 =	vadd.s32 v1, v4;
	_ =	sdelay $0x1  }
0x3f: {  	v3 =	vperm.xlane v3, v2;
	_ =	sdelay $0x1  }
0x40: {  	s24 =	simm.s32 $0x5900;
	v3 =	vadd.s32 v1, v3  }
0x41: {  	[tilespmem:s24], [sflag:$0x1] =	stream.indirect_vreg.gather [hbm4b:s4+s3], $0x80, v4, vm0, $0xb8;
	[tilespmem:$0x11900] =	vst v63  }
0x42: {  	s23 =	simm.s32 $0x6100  }
0x43: {  	[tilespmem:s23], [sflag:$0x1] =	stream.indirect_vreg.gather [hbm4b:s7+s3], $0x80, v4, vm0, $0xb8;
	[tilespmem:$0x11900] =	vst v63  }
0x44: {  	s24 =	simm.s32 $0x6900  }
0x45: {  	[tilespmem:s24], [sflag:$0x1] =	stream.indirect_vreg.gather [hbm4b:s4+s3], $0x80, v3, vm0, $0xb8;
	[tilespmem:$0x11900] =	vst v63  }
0x46: {  	s23 =	simm.s32 $0x7100  }
0x47: {  	[tilespmem:s23], [sflag:$0x1] =	stream.indirect_vreg.gather [hbm4b:s7+s3], $0x80, v3, vm0, $0xb8;
	[tilespmem:$0x11900] =	vst v63  }
0x48: {  	v3 =	vld [tilespmem:$0x30];
	_ =	sdelay $0x4  }
0x49: {  	v59 =	vshll.u32 v3, $0x2  }
0x4a: {  	v3 =	vand.u32 $0x7, v3;
	v4 =	vand.u32 $0xFFFFFFE0, v59  }
0x4b: {  	v3 =	vor.u32 v3, v4  }
0x4c: {  	v4 =	vperm.xlane v3, v0;
	_ =	sdelay $0x1  }
0x4d: {  	v4 =	vadd.s32 v1, v4;
	_ =	sdelay $0x1  }
0x4e: {  	v3 =	vperm.xlane v3, v2;
	_ =	sdelay $0x1  }
0x4f: {  	s24 =	simm.s32 $0x7900;
	v3 =	vadd.s32 v1, v3  }
0x50: {  	[tilespmem:s24], [sflag:$0x1] =	stream.indirect_vreg.gather [hbm4b:s4+s3], $0x80, v4, vm0, $0xb8;
	[tilespmem:$0x11900] =	vst v63  }
0x51: {  	_ = 	snop  }
0x52: {  	[tilespmem:s0], [sflag:$0x1] =	stream.indirect_vreg.gather [hbm4b:s7+s3], $0x80, v4, vm0, $0xb8;
	[tilespmem:$0x11900] =	vst v63  }
0x53: {  	_ = 	snop  }
0x54: {  	[tilespmem:s14], [sflag:$0x1] =	stream.indirect_vreg.gather [hbm4b:s4+s3], $0x80, v3, vm0, $0xb8;
	[tilespmem:$0x11900] =	vst v63  }
0x55: {  	_ = 	snop  }
0x56: {  	[tilespmem:s15], [sflag:$0x1] =	stream.indirect_vreg.gather [hbm4b:s7+s3], $0x80, v3, vm0, $0xb8;
	[tilespmem:$0x11900] =	vst v63  }
0x57: {  	v3 =	vld [tilespmem:$0x40];
	_ =	sdelay $0x4  }
0x58: {  	v60 =	vshll.u32 v3, $0x2  }
0x59: {  	v3 =	vand.u32 $0x7, v3;
	v4 =	vand.u32 $0xFFFFFFE0, v60  }
0x5a: {  	v3 =	vor.u32 v3, v4  }
0x5b: {  	v4 =	vperm.xlane v3, v0;
	_ =	sdelay $0x1  }
0x5c: {  	v4 =	vadd.s32 v1, v4;
	_ =	sdelay $0x1  }
0x5d: {  	v3 =	vperm.xlane v3, v2;
	_ =	sdelay $0x1  }
0x5e: {  	v3 =	vadd.s32 v1, v3  }
0x5f: {  	[tilespmem:s1], [sflag:$0x2] =	stream.indirect_vreg.gather [hbm4b:s4+s3], $0x80, v4, vm0, $0xb8;
	[tilespmem:$0x11900] =	vst v63  }
0x60: {  	_ = 	snop  }
0x61: {  	[tilespmem:s16], [sflag:$0x2] =	stream.indirect_vreg.gather [hbm4b:s7+s3], $0x80, v4, vm0, $0xb8;
	[tilespmem:$0x11900] =	vst v63  }
0x62: {  	_ = 	snop  }
0x63: {  	[tilespmem:s17], [sflag:$0x2] =	stream.indirect_vreg.gather [hbm4b:s4+s3], $0x80, v3, vm0, $0xb8;
	[tilespmem:$0x11900] =	vst v63  }
0x64: {  	_ = 	snop  }
0x65: {  	[tilespmem:s6], [sflag:$0x2] =	stream.indirect_vreg.gather [hbm4b:s7+s3], $0x80, v3, vm0, $0xb8;
	[tilespmem:$0x11900] =	vst v63  }
0x66: {  	v3 =	vld [tilespmem:$0x50];
	_ =	sdelay $0x4  }
0x67: {  	v61 =	vshll.u32 v3, $0x2  }
0x68: {  	v3 =	vand.u32 $0x7, v3;
	v4 =	vand.u32 $0xFFFFFFE0, v61  }
0x69: {  	v3 =	vor.u32 v3, v4  }
0x6a: {  	v4 =	vperm.xlane v3, v0;
	_ =	sdelay $0x1  }
0x6b: {  	v4 =	vadd.s32 v1, v4;
	_ =	sdelay $0x1  }
0x6c: {  	v3 =	vperm.xlane v3, v2;
	_ =	sdelay $0x1  }
0x6d: {  	v3 =	vadd.s32 v1, v3  }
0x6e: {  	[tilespmem:s8], [sflag:$0x2] =	stream.indirect_vreg.gather [hbm4b:s4+s3], $0x80, v4, vm0, $0xb8;
	[tilespmem:$0x11900] =	vst v63  }
0x6f: {  	_ = 	snop  }
0x70: {  	[tilespmem:s10], [sflag:$0x2] =	stream.indirect_vreg.gather [hbm4b:s7+s3], $0x80, v4, vm0, $0xb8;
	[tilespmem:$0x11900] =	vst v63  }
0x71: {  	_ = 	snop  }
0x72: {  	[tilespmem:s18], [sflag:$0x2] =	stream.indirect_vreg.gather [hbm4b:s4+s3], $0x80, v3, vm0, $0xb8;
	[tilespmem:$0x11900] =	vst v63  }
0x73: {  	_ = 	snop  }
0x74: {  	[tilespmem:s11], [sflag:$0x2] =	stream.indirect_vreg.gather [hbm4b:s7+s3], $0x80, v3, vm0, $0xb8;
	[tilespmem:$0x11900] =	vst v63  }
0x75: {  	v3 =	vld [tilespmem:$0x60];
	_ =	sdelay $0x4  }
0x76: {  	v62 =	vshll.u32 v3, $0x2  }
0x77: {  	v3 =	vand.u32 $0x7, v3;
	v4 =	vand.u32 $0xFFFFFFE0, v62  }
0x78: {  	v3 =	vor.u32 v3, v4  }
0x79: {  	v4 =	vperm.xlane v3, v0;
	_ =	sdelay $0x1  }
0x7a: {  	v4 =	vadd.s32 v1, v4;
	_ =	sdelay $0x1  }
0x7b: {  	v3 =	vperm.xlane v3, v2;
	_ =	sdelay $0x1  }
0x7c: {  	v3 =	vadd.s32 v1, v3  }
0x7d: {  	[tilespmem:s2], [sflag:$0x2] =	stream.indirect_vreg.gather [hbm4b:s4+s3], $0x80, v4, vm0, $0xb8;
	[tilespmem:$0x11900] =	vst v63  }
0x7e: {  	_ = 	snop  }
0x7f: {  	[tilespmem:s13], [sflag:$0x2] =	stream.indirect_vreg.gather [hbm4b:s7+s3], $0x80, v4, vm0, $0xb8;
	[tilespmem:$0x11900] =	vst v63  }
0x80: {  	_ = 	snop  }
0x81: {  	[tilespmem:s5], [sflag:$0x2] =	stream.indirect_vreg.gather [hbm4b:s4+s3], $0x80, v3, vm0, $0xb8;
	[tilespmem:$0x11900] =	vst v63  }
0x82: {  	_ = 	snop  }
0x83: {  	[tilespmem:s25], [sflag:$0x2] =	stream.indirect_vreg.gather [hbm4b:s7+s3], $0x80, v3, vm0, $0xb8;
	[tilespmem:$0x11900] =	vst v63  }
0x84: {  	v3 =	vld [tilespmem:$0x70];
	_ =	sdelay $0x4  }
0x85: {  	v63 =	vshll.u32 v3, $0x2  }
0x86: {  	v3 =	vand.u32 $0x7, v3;
	v4 =	vand.u32 $0xFFFFFFE0, v63  }
0x87: {  	v3 =	vor.u32 v3, v4  }
0x88: {  	v4 =	vperm.xlane v3, v0;
	_ =	sdelay $0x1  }
0x89: {  	v4 =	vadd.s32 v1, v4;
	_ =	sdelay $0x1  }
0x8a: {  	v3 =	vperm.xlane v3, v2  }
0x8b: {  	s31 =	simm.s32 $0x3100;
	s23 =	simm.s32 $0x10900  }
0x8c: {  	s24 =	simm.s32 $0x11100;
	s0 =	simm.s32 $0x4100;
	s15 =	simm.s32 $0x8900;
	v3 =	vadd.s32 v1, v3  }
0x8d: {  	[tilespmem:s30], [sflag:$0x2] =	stream.indirect_vreg.gather [hbm4b:s4+s3], $0x80, v4, vm0, $0xb8;
	[tilespmem:$0x11900] =	vst v63  }
0x8e: {  	s16 =	simm.s32 $0xF100;
	s17 =	simm.s32 $0xA100;
	s18 =	simm.s32 $0x10100  }
0x8f: {  	[tilespmem:s18], [sflag:$0x2] =	stream.indirect_vreg.gather [hbm4b:s7+s3], $0x80, v4, vm0, $0xb8;
	[tilespmem:$0x11900] =	vst v63  }
0x90: {  	s6 =	simm.s32 $0xB100;
	s8 =	simm.s32 $0xB900;
	s10 =	simm.s32 $0xC100  }
0x91: {  	[tilespmem:s23], [sflag:$0x2] =	stream.indirect_vreg.gather [hbm4b:s4+s3], $0x80, v3, vm0, $0xb8;
	[tilespmem:$0x11900] =	vst v63  }
0x92: {  	s11 =	simm.s32 $0xD100;
	s2 =	simm.s32 $0xD900;
	s13 =	simm.s32 $0xE100  }
0x93: {  	[tilespmem:s24], [sflag:$0x2] =	stream.indirect_vreg.gather [hbm4b:s7+s3], $0x80, v3, vm0, $0xb8;
	[tilespmem:$0x11900] =	vst v63  }
0x94: {  	s5 =	simm.s32 $0xE900;
	s30 =	simm.s32 $0x1900;
	_ =	swait.ge [sflag:s19], $0x8000  }
0x95: {  	s18 =	simm.s32 $0xF900;
	[sflag:s19] =	ssyncset.done $0x0;
	s25 =	rddreg [dreg:$0x4]  }
0x96: {  	s23 =	simm.s32 $0xF0;
	s12 =	rddreg [dreg:$0x8];
	[sflag:s19] =	ssyncadd.s32 $0xFFFF8000  }
0x97: {  	[hbm4b:s25+s3] =	stream.linear.scatter [tilespmem:s9], [sflag:$0x3], $0x8000, $0x38;
	[tilespmem:$0x11900] =	vst v63  }
0x98: {  	s24 =	simm.s32 $0x0;
	s25 =	simm.s32 $0xC900;
	s9 =	rddreg [dreg:$0x7]  }
.LBB2_2:
0x99: {  	_ =	swait.ge [sflag:s20], $0x8000  }
0x9a: {  	[sflag:s20] =	ssyncset.done $0x0  }
0x9b: {  	[sflag:s20] =	ssyncadd.s32 $0xFFFF8000  }
0x9c: {  	v3 =	vld [tilespmem:s23+$0xFFFFFF90];
	_ =	sdelay $0x4  }
0x9d: {  	v4 =	vshll.u32 v3, $0x2  }
0x9e: {  	v3 =	vand.u32 $0x7, v3;
	v4 =	vand.u32 $0xFFFFFFE0, v4  }
0x9f: {  	v3 =	vor.u32 v3, v4  }
0xa0: {  	v4 =	vperm.xlane v3, v0;
	_ =	sdelay $0x1  }
0xa1: {  	v4 =	vadd.s32 v1, v4;
	_ =	sdelay $0x1  }
0xa2: {  	v3 =	vperm.xlane v3, v2;
	_ =	sdelay $0x1  }
0xa3: {  	v3 =	vadd.s32 v1, v3  }
0xa4: {  	[tilespmem:s30], [sflag:$0x1] =	stream.indirect_vreg.gather [hbm4b:s4+s3], $0x80, v4, vm0, $0xb8;
	[tilespmem:$0x11900] =	vst v63  }
0xa5: {  	_ = 	snop  }
0xa6: {  	[tilespmem:s28], [sflag:$0x1] =	stream.indirect_vreg.gather [hbm4b:s7+s3], $0x80, v4, vm0, $0xb8;
	[tilespmem:$0x11900] =	vst v63  }
0xa7: {  	_ = 	snop  }
0xa8: {  	[tilespmem:s29], [sflag:$0x1] =	stream.indirect_vreg.gather [hbm4b:s4+s3], $0x80, v3, vm0, $0xb8;
	[tilespmem:$0x11900] =	vst v63  }
0xa9: {  	_ = 	snop  }
0xaa: {  	[tilespmem:s31], [sflag:$0x1] =	stream.indirect_vreg.gather [hbm4b:s7+s3], $0x80, v3, vm0, $0xb8;
	[tilespmem:$0x11900] =	vst v63  }
0xab: {  	v3 =	vld [tilespmem:s23+$0xFFFFFFA0];
	_ =	sdelay $0x4  }
0xac: {  	v57 =	vshll.u32 v3, $0x2  }
0xad: {  	v3 =	vand.u32 $0x7, v3;
	v4 =	vand.u32 $0xFFFFFFE0, v57  }
0xae: {  	v3 =	vor.u32 v3, v4  }
0xaf: {  	v4 =	vperm.xlane v3, v0;
	_ =	sdelay $0x1  }
0xb0: {  	v4 =	vadd.s32 v1, v4;
	_ =	sdelay $0x1  }
0xb1: {  	v3 =	vperm.xlane v3, v2;
	_ =	sdelay $0x1  }
0xb2: {  	s1 =	simm.s32 $0x3900;
	v3 =	vadd.s32 v1, v3  }
0xb3: {  	[tilespmem:s1], [sflag:$0x1] =	stream.indirect_vreg.gather [hbm4b:s4+s3], $0x80, v4, vm0, $0xb8;
	[tilespmem:$0x11900] =	vst v63  }
0xb4: {  	_ = 	snop  }
0xb5: {  	[tilespmem:s0], [sflag:$0x1] =	stream.indirect_vreg.gather [hbm4b:s7+s3], $0x80, v4, vm0, $0xb8;
	[tilespmem:$0x11900] =	vst v63  }
0xb6: {  	s14 =	simm.s32 $0x4900  }
0xb7: {  	[tilespmem:s14], [sflag:$0x1] =	stream.indirect_vreg.gather [hbm4b:s4+s3], $0x80, v3, vm0, $0xb8;
	[tilespmem:$0x11900] =	vst v63  }
0xb8: {  	s14 =	simm.s32 $0x5100  }
0xb9: {  	[tilespmem:s14], [sflag:$0x1] =	stream.indirect_vreg.gather [hbm4b:s7+s3], $0x80, v3, vm0, $0xb8;
	[tilespmem:$0x11900] =	vst v63  }
0xba: {  	v3 =	vld [tilespmem:s23+$0xFFFFFFB0];
	_ =	sdelay $0x4  }
0xbb: {  	v58 =	vshll.u32 v3, $0x2  }
0xbc: {  	v3 =	vand.u32 $0x7, v3;
	v4 =	vand.u32 $0xFFFFFFE0, v58  }
0xbd: {  	v3 =	vor.u32 v3, v4  }
0xbe: {  	v4 =	vperm.xlane v3, v0;
	_ =	sdelay $0x1  }
0xbf: {  	v4 =	vadd.s32 v1, v4;
	_ =	sdelay $0x1  }
0xc0: {  	v3 =	vperm.xlane v3, v2;
	_ =	sdelay $0x1  }
0xc1: {  	s14 =	simm.s32 $0x5900;
	v3 =	vadd.s32 v1, v3  }
0xc2: {  	[tilespmem:s14], [sflag:$0x1] =	stream.indirect_vreg.gather [hbm4b:s4+s3], $0x80, v4, vm0, $0xb8;
	[tilespmem:$0x11900] =	vst v63  }
0xc3: {  	s14 =	simm.s32 $0x6100  }
0xc4: {  	[tilespmem:s14], [sflag:$0x1] =	stream.indirect_vreg.gather [hbm4b:s7+s3], $0x80, v4, vm0, $0xb8;
	[tilespmem:$0x11900] =	vst v63  }
0xc5: {  	s14 =	simm.s32 $0x6900  }
0xc6: {  	[tilespmem:s14], [sflag:$0x1] =	stream.indirect_vreg.gather [hbm4b:s4+s3], $0x80, v3, vm0, $0xb8;
	[tilespmem:$0x11900] =	vst v63  }
0xc7: {  	s14 =	simm.s32 $0x7100  }
0xc8: {  	[tilespmem:s14], [sflag:$0x1] =	stream.indirect_vreg.gather [hbm4b:s7+s3], $0x80, v3, vm0, $0xb8;
	[tilespmem:$0x11900] =	vst v63  }
0xc9: {  	v3 =	vld [tilespmem:s23+$0xFFFFFFC0];
	_ =	sdelay $0x4  }
0xca: {  	v59 =	vshll.u32 v3, $0x2  }
0xcb: {  	v3 =	vand.u32 $0x7, v3;
	v4 =	vand.u32 $0xFFFFFFE0, v59  }
0xcc: {  	v3 =	vor.u32 v3, v4  }
0xcd: {  	v4 =	vperm.xlane v3, v0;
	_ =	sdelay $0x1  }
0xce: {  	v4 =	vadd.s32 v1, v4;
	_ =	sdelay $0x1  }
0xcf: {  	v3 =	vperm.xlane v3, v2;
	_ =	sdelay $0x1  }
0xd0: {  	s14 =	simm.s32 $0x7900;
	v3 =	vadd.s32 v1, v3  }
0xd1: {  	[tilespmem:s14], [sflag:$0x1] =	stream.indirect_vreg.gather [hbm4b:s4+s3], $0x80, v4, vm0, $0xb8;
	[tilespmem:$0x11900] =	vst v63  }
0xd2: {  	s14 =	simm.s32 $0x8100  }
0xd3: {  	[tilespmem:s14], [sflag:$0x1] =	stream.indirect_vreg.gather [hbm4b:s7+s3], $0x80, v4, vm0, $0xb8;
	[tilespmem:$0x11900] =	vst v63  }
0xd4: {  	_ = 	snop  }
0xd5: {  	[tilespmem:s15], [sflag:$0x1] =	stream.indirect_vreg.gather [hbm4b:s4+s3], $0x80, v3, vm0, $0xb8;
	[tilespmem:$0x11900] =	vst v63  }
0xd6: {  	s14 =	simm.s32 $0x9100  }
0xd7: {  	[tilespmem:s14], [sflag:$0x1] =	stream.indirect_vreg.gather [hbm4b:s7+s3], $0x80, v3, vm0, $0xb8;
	[tilespmem:$0x11900] =	vst v63  }
0xd8: {  	_ =	swait.ge [sflag:s21], $0x8000  }
0xd9: {  	s29 =	smov.u32 s26;
	s26 =	sadd.s32 s24, s26;
	[sflag:s21] =	ssyncset.done $0x0  }
0xda: {  	s28 =	sadd.s32 s26, s12;
	s14 =	simm.s32 $0x9900;
	[sflag:s21] =	ssyncadd.s32 $0xFFFF8000  }
0xdb: {  	[hbm4b:s28+s3] =	stream.linear.scatter [tilespmem:s14], [sflag:$0x4], $0x8000, $0x38;
	[tilespmem:$0x11900] =	vst v63  }
0xdc: {  	_ =	swait.ge [sflag:s22], $0x8000  }
0xdd: {  	[sflag:s22] =	ssyncset.done $0x0  }
0xde: {  	[sflag:s22] =	ssyncadd.s32 $0xFFFF8000  }
0xdf: {  	v3 =	vld [tilespmem:s23+$0xFFFFFFD0];
	_ =	sdelay $0x4  }
0xe0: {  	v60 =	vshll.u32 v3, $0x2  }
0xe1: {  	v3 =	vand.u32 $0x7, v3;
	v4 =	vand.u32 $0xFFFFFFE0, v60  }
0xe2: {  	v3 =	vor.u32 v3, v4  }
0xe3: {  	v4 =	vperm.xlane v3, v0;
	_ =	sdelay $0x1  }
0xe4: {  	v4 =	vadd.s32 v1, v4;
	_ =	sdelay $0x1  }
0xe5: {  	v3 =	vperm.xlane v3, v2;
	_ =	sdelay $0x1  }
0xe6: {  	v3 =	vadd.s32 v1, v3  }
0xe7: {  	[tilespmem:s14], [sflag:$0x2] =	stream.indirect_vreg.gather [hbm4b:s4+s3], $0x80, v4, vm0, $0xb8;
	[tilespmem:$0x11900] =	vst v63  }
0xe8: {  	_ = 	snop  }
0xe9: {  	[tilespmem:s17], [sflag:$0x2] =	stream.indirect_vreg.gather [hbm4b:s7+s3], $0x80, v4, vm0, $0xb8;
	[tilespmem:$0x11900] =	vst v63  }
0xea: {  	s14 =	simm.s32 $0xA900  }
0xeb: {  	[tilespmem:s14], [sflag:$0x2] =	stream.indirect_vreg.gather [hbm4b:s4+s3], $0x80, v3, vm0, $0xb8;
	[tilespmem:$0x11900] =	vst v63  }
0xec: {  	_ = 	snop  }
0xed: {  	[tilespmem:s6], [sflag:$0x2] =	stream.indirect_vreg.gather [hbm4b:s7+s3], $0x80, v3, vm0, $0xb8;
	[tilespmem:$0x11900] =	vst v63  }
0xee: {  	v3 =	vld [tilespmem:s23+$0xFFFFFFE0];
	_ =	sdelay $0x4  }
0xef: {  	v61 =	vshll.u32 v3, $0x2  }
0xf0: {  	v3 =	vand.u32 $0x7, v3;
	v4 =	vand.u32 $0xFFFFFFE0, v61  }
0xf1: {  	v3 =	vor.u32 v3, v4  }
0xf2: {  	v4 =	vperm.xlane v3, v0;
	_ =	sdelay $0x1  }
0xf3: {  	v4 =	vadd.s32 v1, v4;
	_ =	sdelay $0x1  }
0xf4: {  	v3 =	vperm.xlane v3, v2;
	_ =	sdelay $0x1  }
0xf5: {  	v3 =	vadd.s32 v1, v3  }
0xf6: {  	[tilespmem:s8], [sflag:$0x2] =	stream.indirect_vreg.gather [hbm4b:s4+s3], $0x80, v4, vm0, $0xb8;
	[tilespmem:$0x11900] =	vst v63  }
0xf7: {  	_ = 	snop  }
0xf8: {  	[tilespmem:s10], [sflag:$0x2] =	stream.indirect_vreg.gather [hbm4b:s7+s3], $0x80, v4, vm0, $0xb8;
	[tilespmem:$0x11900] =	vst v63  }
0xf9: {  	_ = 	snop  }
0xfa: {  	[tilespmem:s25], [sflag:$0x2] =	stream.indirect_vreg.gather [hbm4b:s4+s3], $0x80, v3, vm0, $0xb8;
	[tilespmem:$0x11900] =	vst v63  }
0xfb: {  	_ = 	snop  }
0xfc: {  	[tilespmem:s11], [sflag:$0x2] =	stream.indirect_vreg.gather [hbm4b:s7+s3], $0x80, v3, vm0, $0xb8;
	[tilespmem:$0x11900] =	vst v63  }
0xfd: {  	v3 =	vld [tilespmem:s23+$0xFFFFFFF0];
	_ =	sdelay $0x4  }
0xfe: {  	v62 =	vshll.u32 v3, $0x2  }
0xff: {  	v3 =	vand.u32 $0x7, v3;
	v4 =	vand.u32 $0xFFFFFFE0, v62  }
0x100: {  	v3 =	vor.u32 v3, v4  }
0x101: {  	v4 =	vperm.xlane v3, v0;
	_ =	sdelay $0x1  }
0x102: {  	v4 =	vadd.s32 v1, v4;
	_ =	sdelay $0x1  }
0x103: {  	v3 =	vperm.xlane v3, v2;
	_ =	sdelay $0x1  }
0x104: {  	v3 =	vadd.s32 v1, v3  }
0x105: {  	[tilespmem:s2], [sflag:$0x2] =	stream.indirect_vreg.gather [hbm4b:s4+s3], $0x80, v4, vm0, $0xb8;
	[tilespmem:$0x11900] =	vst v63  }
0x106: {  	_ = 	snop  }
0x107: {  	[tilespmem:s13], [sflag:$0x2] =	stream.indirect_vreg.gather [hbm4b:s7+s3], $0x80, v4, vm0, $0xb8;
	[tilespmem:$0x11900] =	vst v63  }
0x108: {  	_ = 	snop  }
0x109: {  	[tilespmem:s5], [sflag:$0x2] =	stream.indirect_vreg.gather [hbm4b:s4+s3], $0x80, v3, vm0, $0xb8;
	[tilespmem:$0x11900] =	vst v63  }
0x10a: {  	_ = 	snop  }
0x10b: {  	[tilespmem:s16], [sflag:$0x2] =	stream.indirect_vreg.gather [hbm4b:s7+s3], $0x80, v3, vm0, $0xb8;
	[tilespmem:$0x11900] =	vst v63  }
0x10c: {  	v3 =	vld [tilespmem:s23+$0x0];
	_ =	sdelay $0x4  }
0x10d: {  	v63 =	vshll.u32 v3, $0x2  }
0x10e: {  	v3 =	vand.u32 $0x7, v3;
	v4 =	vand.u32 $0xFFFFFFE0, v63  }
0x10f: {  	v3 =	vor.u32 v3, v4  }
0x110: {  	v4 =	vperm.xlane v3, v0;
	_ =	sdelay $0x1  }
0x111: {  	v4 =	vadd.s32 v1, v4;
	_ =	sdelay $0x1  }
0x112: {  	v3 =	vperm.xlane v3, v2;
	_ =	sdelay $0x1  }
0x113: {  	v3 =	vadd.s32 v1, v3  }
0x114: {  	[tilespmem:s18], [sflag:$0x2] =	stream.indirect_vreg.gather [hbm4b:s4+s3], $0x80, v4, vm0, $0xb8;
	[tilespmem:$0x11900] =	vst v63  }
0x115: {  	s14 =	simm.s32 $0x10100  }
0x116: {  	[tilespmem:s14], [sflag:$0x2] =	stream.indirect_vreg.gather [hbm4b:s7+s3], $0x80, v4, vm0, $0xb8;
	[tilespmem:$0x11900] =	vst v63  }
0x117: {  	s14 =	simm.s32 $0x10900  }
0x118: {  	[tilespmem:s14], [sflag:$0x2] =	stream.indirect_vreg.gather [hbm4b:s4+s3], $0x80, v3, vm0, $0xb8;
	[tilespmem:$0x11900] =	vst v63  }
0x119: {  	p0 =	sne.s32 s24, $0xC00000;
	s14 =	simm.s32 $0x11100  }
0x11a: {  	[tilespmem:s14], [sflag:$0x2] =	stream.indirect_vreg.gather [hbm4b:s7+s3], $0x80, v3, vm0, $0xb8;
	[tilespmem:$0x11900] =	vst v63  }
.Ltmp0:
0x11b: {  	s26 =	sadd.s32 s9, s26;
	_ =	swait.ge [sflag:s19], $0x8000;
	(pc) =	sbr.rel @p0 .LBB2_2-.Ltmp0, $4  }
0x11c: {  	s24 =	sadd.s32 $0x40000, s24;
	s26 =	sadd.s32 $0x40000, s26;
	[sflag:s19] =	ssyncset.done $0x0  }
0x11d: {  	s1 =	simm.s32 $0x9900;
	s28 =	simm.s32 $0x2100;
	[sflag:s19] =	ssyncadd.s32 $0xFFFF8000  }
0x11e: {  	[hbm4b:s26+s3] =	stream.linear.scatter [tilespmem:s30], [sflag:$0x3], $0x8000, $0x38;
	[tilespmem:$0x11900] =	vst v63  }
0x11f: {  	s23 =	sadd.s32 $0x80, s23;
	s26 =	smov.u32 s29;
	s29 =	simm.s32 $0x2900  }
0x120: {  	_ =	swait.ge [sflag:s21], $0x8000  }
0x121: {  	[sflag:s21] =	ssyncset.done $0x0  }
0x122: {  	s0 =	rddreg [dreg:$0x6];
	[sflag:s21] =	ssyncadd.s32 $0xFFFF8000  }
0x123: {  	[hbm4b:s0+s3] =	stream.linear.scatter [tilespmem:s1], [sflag:$0x4], $0x8000, $0x38;
	[tilespmem:$0x11900] =	vst v63  }
0x124: {  	_ =	swait.ge [sflag:s20], $0x8000  }
0x125: {  	[sflag:s20] =	ssyncset.done $0x0  }
0x126: {  	s24 =	simm.s32 $0x3100;
	[sflag:s20] =	ssyncadd.s32 $0xFFFF8000  }
0x127: {  	s12 =	simm.s32 $0x3900;
	s31 =	simm.s32 $0x4100;
	_ =	swait.ge [sflag:s22], $0x8000  }
0x128: {  	s14 =	simm.s32 $0x8900;
	s15 =	simm.s32 $0x9100;
	s25 =	rddreg [dreg:$0x9]  }
0x129: {  	s16 =	simm.s32 $0xA100;
	s23 =	rddreg [dreg:$0x5];
	s0 =	sadd.s32 $0x1, s25  }
0x12a: {  	s17 =	simm.s32 $0xA900;
	s6 =	simm.s32 $0xB100;
	p0 =	sne.s32 s0, s23  }
.Ltmp1:
0x12b: {  	s8 =	simm.s32 $0xB900;
	s10 =	simm.s32 $0xC100;
	(pc) =	sbr.rel @p0 .LBB2_1-.Ltmp1, $4  }
0x12c: {  	s18 =	simm.s32 $0xC900;
	s11 =	simm.s32 $0xD100;
	s2 =	simm.s32 $0xD900  }
0x12d: {  	s13 =	simm.s32 $0xE100;
	s5 =	simm.s32 $0xE900;
	[sflag:s22] =	ssyncset.done $0x0  }
0x12e: {  	s9 =	simm.s32 $0x1900;
	s30 =	simm.s32 $0xF900;
	[sflag:s22] =	ssyncadd.s32 $0xFFFF8000  }
0x12f: {  	s25 =	simm.s32 $0xF100;
	[dreg:$0x9] =	wrdreg s0;
	s0 =	simm.s32 $0x8100  }
0x130: {  	_ =	sfence.sel $0x180000  }
0x131: {  	[bflag:$0x0] =	sbarrier.arrive $0xFFFF  }
0x132: {  	_ =	strace $0x90000047  }
0x133: {  	s0 =	stileid.u32;
	[bflag:$0x2] =	sbarrier.arrive $0xFFFF  }
0x134: {  	p0 =	sne.s32 s0, $0x0;
	s0 =	rddreg [dreg:$0x2]  }
0x135: {  	s0 =	sadd.s32 @!p0 $0x100000, s0  }
0x136: {  	[sflag:s0] =	ssyncadd.tile.s32 @!p0 $0x1;
	_ =	shalt  }
.Lfunc_end2:
_tile_overlayer_lowered:
.L_overlay_start_2:
0x137: {  	(tag) =	ssettag $0x2  }
0x138: {  	s0 =	rddreg [dreg:$0x0];
	s2 =	stileid.u32  }
0x139: {  	s1 =	rddreg [dreg:$0x1];
	p0 =	sne.s32 s2, $0x0  }
0x13a: {  	s3 =	rddreg [dreg:$0x2];
	[bflag:$0x3] =	sbarrier.arrive $0xFFFF;
	s2 =	simm.s32 @!p0 $0x1C05  }
0x13b: {  	[timem:s3], [sflag:s2] =	dma.local @!p0 [hbm:s0], s1  }
0x13c: {  	s0 =	simm.s32 @!p0 $0x5  }
0x13d: {  	_ =	swait.ge @!p0 [sflag:s0], s1  }
0x13e: {  	s1 =	ssub.s32 @!p0 $0x0, s1;
	[sflag:s0] =	ssyncset.done @!p0 $0x0  }
0x13f: {  	[sflag:s0] =	ssyncadd.s32 @!p0 s1  }
0x140: {  	[bflag:$0x3] =	sbarrier.arrive $0xFFFF  }
0x141: {  	_ =	shalt  }

</sc_bundles>
